<compile_context>
chip_gen: v7x
topology: tpu7x:2x2x1
jax: 0.10.2.dev20260603
libtpu: 0.0.44.dev20260713+nightly
codegen_flags: <defaults>
</compile_context>

<pallas_src>
import jax
import jax.numpy as jnp
from jax import lax
from jax.experimental import pallas as pl
from jax.experimental.pallas import tpu as pltpu
from jax.experimental.pallas import tpu_sc as plsc

NC = 2
NS = 16
NW = NC * NS
LANES = 16

CHUNK = 128
NBUF = 2
N_NODES = 10000
D_FEAT = 128

E_EDGES = 320000
CHUNKS_PER_W = 80
EDGES_PER_W = CHUNKS_PER_W * CHUNK
E_PAD = NW * EDGES_PER_W
DUMMY_ROW = N_NODES
N_PAD = 10240
ACC_ROWS = N_PAD
RPT = ACC_ROWS // NS


def _make_sc_segsum(with_count: bool):
  mesh = plsc.VectorSubcoreMesh(core_axis_name="c", subcore_axis_name="s")

  out_type = [jax.ShapeDtypeStruct((NC, ACC_ROWS, D_FEAT), jnp.float32)]
  scratch = [
      pltpu.VMEM_SHARED((ACC_ROWS, D_FEAT), jnp.float32),
      pltpu.VMEM((NBUF, 2, CHUNK), jnp.int32),
  ] + [pltpu.VMEM((CHUNK, D_FEAT), jnp.float32) for _ in range(NBUF)] + [
      pltpu.SemaphoreType.DMA for _ in range(NBUF)
  ] + [pltpu.SemaphoreType.DMA]
  if with_count:
    out_type.append(jax.ShapeDtypeStruct((NC, ACC_ROWS), jnp.float32))
    scratch.append(pltpu.VMEM_SHARED((ACC_ROWS,), jnp.float32))
    scratch.append(pltpu.VMEM((CHUNK,), jnp.float32))

  def body(table_hbm, idx_hbm, z2_hbm, z1_hbm, *rest):
    if with_count:
      (agg_out, cnt_out, acc_sh, idx_db, *rb) = rest
      rows = rb[:NBUF]
      sem_g = rb[NBUF:2 * NBUF]
      sem_c = rb[2 * NBUF]
      cnt_sh, ones_v = rb[2 * NBUF + 1:]
    else:
      (agg_out, acc_sh, idx_db, *rb) = rest
      rows = rb[:NBUF]
      sem_g = rb[NBUF:2 * NBUF]
      sem_c = rb[2 * NBUF]
    c = lax.axis_index("c")
    s = lax.axis_index("s")
    wid = s * NC + c
    cbase = wid * CHUNKS_PER_W

    pltpu.sync_copy(z2_hbm.at[pl.ds(s * RPT, RPT)], acc_sh.at[pl.ds(s * RPT, RPT)])
    if with_count:
      pltpu.sync_copy(z1_hbm.at[pl.ds(s * RPT, RPT)], cnt_sh.at[pl.ds(s * RPT, RPT)])
      ones16 = jnp.ones((LANES,), jnp.float32)
      for k in range(CHUNK // LANES):
        ones_v[pl.ds(k * LANES, LANES)] = ones16
    plsc.subcore_barrier()

    n_group = CHUNKS_PER_W // NBUF
    for b in range(NBUF):
      pltpu.sync_copy(idx_hbm.at[cbase + b], idx_db.at[b])
      pltpu.async_copy(table_hbm.at[idx_db.at[b, 0]], rows[b], sem_g[b])

    def group_body(g, carry):
      for b in range(NBUF):
        j = g * NBUF + b
        if with_count:
          pltpu.async_copy(ones_v, cnt_sh.at[idx_db.at[b, 1]], sem_c, add=True)
        pltpu.make_async_copy(table_hbm.at[idx_db.at[b, 0]], rows[b],
                              sem_g[b]).wait()
        pltpu.sync_copy(rows[b], acc_sh.at[idx_db.at[b, 1]], add=True)
        if with_count:
          pltpu.make_async_copy(ones_v, cnt_sh.at[idx_db.at[b, 1]], sem_c).wait()

        @pl.when(g < n_group - 1)
        def _():
          pltpu.sync_copy(idx_hbm.at[cbase + j + NBUF], idx_db.at[b])
          pltpu.async_copy(table_hbm.at[idx_db.at[b, 0]], rows[b], sem_g[b])
      return carry

    lax.fori_loop(0, n_group, group_body, 0)
    plsc.subcore_barrier()

    pltpu.sync_copy(acc_sh.at[pl.ds(s * RPT, RPT)],
                    agg_out.at[c, pl.ds(s * RPT, RPT)])
    if with_count:
      pltpu.sync_copy(cnt_sh.at[pl.ds(s * RPT, RPT)],
                      cnt_out.at[c, pl.ds(s * RPT, RPT)])

  return pl.kernel(body, out_type=tuple(out_type), mesh=mesh,
                   scratch_types=scratch)


_sc_segsum_count = _make_sc_segsum(True)
_sc_segsum = _make_sc_segsum(False)


def _xr_body(x_ref, wr_ref, b_ref, xr_ref):
  xr_ref[...] = (
      jnp.dot(x_ref[...], wr_ref[...], preferred_element_type=jnp.float32)
      + b_ref[...])


def _layer1_body(agg_ref, cnt_ref, xr_ref, wl_ref, w2l_ref, w2r_ref, b2_ref,
                 p_ref, hr_ref):
  cnt = jnp.maximum(jnp.sum(cnt_ref[...], axis=0), 1.0)
  agg = agg_ref[0] + agg_ref[1]
  mean = agg / cnt[:, None]
  h = jnp.tanh(
      jnp.dot(mean, wl_ref[...], preferred_element_type=jnp.float32)
      + xr_ref[...])
  p_ref[...] = jnp.dot(h, w2l_ref[...], preferred_element_type=jnp.float32)
  hr_ref[...] = (
      jnp.dot(h, w2r_ref[...], preferred_element_type=jnp.float32)
      + b2_ref[...])


def _layer2_body(agg_ref, cnt_ref, hr_ref, out_ref):
  cnt = jnp.maximum(jnp.sum(cnt_ref[...], axis=0), 1.0)
  mean_l = (agg_ref[0] + agg_ref[1]) / cnt[:, None]
  out_ref[...] = jnp.tanh(mean_l + hr_ref[...])


_BLK = 1024


def kernel(x, edge_index, W1_l, W1_r, b1, W2_l, W2_r, b2):
  src = edge_index[0].astype(jnp.int32)
  dst = edge_index[1].astype(jnp.int32)
  pad = E_PAD - src.shape[0]
  ar = jnp.arange(pad, dtype=jnp.int32)
  dummy_dst = DUMMY_ROW + ar % (ACC_ROWS - DUMMY_ROW)
  dummy_src = ar % N_NODES
  src_p = jnp.concatenate([src, dummy_src]).reshape(-1, CHUNK)
  dst_p = jnp.concatenate([dst, dummy_dst]).reshape(-1, CHUNK)
  idx2 = jnp.stack([src_p, dst_p], axis=1)
  z2 = jnp.zeros((ACC_ROWS, D_FEAT), jnp.float32)
  z1 = jnp.zeros((ACC_ROWS,), jnp.float32)

  n = x.shape[0]
  x_pad = jnp.pad(x, ((0, N_PAD - n), (0, 0)))

  agg1, cnt_part = _sc_segsum_count(x_pad, idx2, z2, z1)

  grid = N_PAD // _BLK
  xr = pl.pallas_call(
      _xr_body,
      grid=(grid,),
      in_specs=[
          pl.BlockSpec((_BLK, D_FEAT), lambda i: (i, 0)),
          pl.BlockSpec((D_FEAT, 256), lambda i: (0, 0)),
          pl.BlockSpec((1, 256), lambda i: (0, 0)),
      ],
      out_specs=pl.BlockSpec((_BLK, 256), lambda i: (i, 0)),
      out_shape=jax.ShapeDtypeStruct((N_PAD, 256), jnp.float32),
  )(x_pad, W1_r, b1.reshape(1, 256))

  p, hr = pl.pallas_call(
      _layer1_body,
      grid=(grid,),
      in_specs=[
          pl.BlockSpec((NC, _BLK, D_FEAT), lambda i: (0, i, 0)),
          pl.BlockSpec((NC, _BLK), lambda i: (0, i)),
          pl.BlockSpec((_BLK, 256), lambda i: (i, 0)),
          pl.BlockSpec((D_FEAT, 256), lambda i: (0, 0)),
          pl.BlockSpec((256, D_FEAT), lambda i: (0, 0)),
          pl.BlockSpec((256, D_FEAT), lambda i: (0, 0)),
          pl.BlockSpec((1, D_FEAT), lambda i: (0, 0)),
      ],
      out_specs=[
          pl.BlockSpec((_BLK, D_FEAT), lambda i: (i, 0)),
          pl.BlockSpec((_BLK, D_FEAT), lambda i: (i, 0)),
      ],
      out_shape=[
          jax.ShapeDtypeStruct((N_PAD, D_FEAT), jnp.float32),
          jax.ShapeDtypeStruct((N_PAD, D_FEAT), jnp.float32),
      ],
  )(agg1, cnt_part, xr, W1_l, W2_l, W2_r, b2.reshape(1, D_FEAT))

  (agg2,) = _sc_segsum(p, idx2, z2, z1)

  out = pl.pallas_call(
      _layer2_body,
      grid=(grid,),
      in_specs=[
          pl.BlockSpec((NC, _BLK, D_FEAT), lambda i: (0, i, 0)),
          pl.BlockSpec((NC, _BLK), lambda i: (0, i)),
          pl.BlockSpec((_BLK, D_FEAT), lambda i: (i, 0)),
      ],
      out_specs=pl.BlockSpec((_BLK, D_FEAT), lambda i: (i, 0)),
      out_shape=jax.ShapeDtypeStruct((N_PAD, D_FEAT), jnp.float32),
  )(agg2, cnt_part, hr)

  return out[:n]

# --- scband reference (transcript-rebuilt; emitter-appended) ---
"""Pipeline reference for scband-gcn-14173392077144 (READ-ONLY COPY).

The authoritative reference and input builder live on the scoring server;
editing this copy changes nothing except your own understanding.
"""

import jax, jax.numpy as jnp
import numpy as np


def _sage_conv(x, edge_index, W_l, W_r, b):
    # PyG-style SAGEConv with mean aggregation:
    #   out = lin_l(mean_{j in N(i)} x_j) + lin_r(x_i)
    src = edge_index[0]
    dst = edge_index[1]
    N = x.shape[0]
    msg = jnp.take(x, src, axis=0)                       # gather source features [E, d]
    agg = jax.ops.segment_sum(msg, dst, num_segments=N)  # scatter-add to dst nodes
    ones = jnp.ones((msg.shape[0], 1), dtype=x.dtype)
    cnt = jax.ops.segment_sum(ones, dst, num_segments=N)
    mean = agg / jnp.clip(cnt, 1.0, None)
    return mean @ W_l + x @ W_r + b


def setup_inputs(seed: int = 0) -> dict:
    key = jax.random.key(seed)
    k_x, k_e, k1, k2, k3, k4 = jax.random.split(key, 6)
    N = 10000
    E = 320000
    d_in, d_hid, d_out = 128, 256, 128
    x = jax.random.normal(k_x, (N, d_in), dtype=jnp.float32)
    edge_index = jax.random.randint(k_e, (2, E), 0, N, dtype=jnp.int64)
    s1 = 1.0 / np.sqrt(d_in)
    s2 = 1.0 / np.sqrt(d_hid)
    W1_l = jax.random.uniform(k1, (d_in, d_hid), jnp.float32, -s1, s1)
    W1_r = jax.random.uniform(k2, (d_in, d_hid), jnp.float32, -s1, s1)
    b1 = jnp.zeros((d_hid,), dtype=jnp.float32)
    W2_l = jax.random.uniform(k3, (d_hid, d_out), jnp.float32, -s2, s2)
    W2_r = jax.random.uniform(k4, (d_hid, d_out), jnp.float32, -s2, s2)
    b2 = jnp.zeros((d_out,), dtype=jnp.float32)
    return {"x": x, "edge_index": edge_index, "W1_l": W1_l, "W1_r": W1_r, "b1": b1,
            "W2_l": W2_l, "W2_r": W2_r, "b2": b2}


def reference(x, edge_index, W1_l, W1_r, b1, W2_l, W2_r, b2):
    h = _sage_conv(x, edge_index, W1_l, W1_r, b1)
    h = jnp.tanh(h)
    h = _sage_conv(h, edge_index, W2_l, W2_r, b2)
    h = jnp.tanh(h)
    return h

if __name__ == "__main__":
    import jax
    _d = setup_inputs()
    print(jax.jit(kernel)(*tuple(_d.values())))

</pallas_src>

<mosaic_0001>
#map = affine_map<(d0, d1) -> (0, 0)>
#map1 = affine_map<(d0, d1) -> (0, 0, 0)>
#map2 = affine_map<(d0, d1) -> (0)>
module attributes {stable_mosaic.version = 14 : i64} {
  func.func @body(%arg0: i32, %arg1: i32, %arg2: memref<10240x128xf32, #tpu.memory_space<hbm>>, %arg3: memref<2560x2x128xi32, #tpu.memory_space<hbm>>, %arg4: memref<10240x128xf32, #tpu.memory_space<hbm>>, %arg5: memref<10240xf32, #tpu.memory_space<hbm>>, %arg6: memref<2x10240x128xf32, #tpu.memory_space<hbm>>, %arg7: memref<10240x128xf32, #tpu.memory_space<vmem_shared>>, %arg8: memref<2x2x128xi32, #tpu.memory_space<vmem>>, %arg9: memref<128x128xf32, #tpu.memory_space<vmem>>, %arg10: memref<128x128xf32, #tpu.memory_space<vmem>>, %arg11: memref<!tpu.dma_semaphore, #tpu.memory_space<semaphore_mem>>, %arg12: memref<!tpu.dma_semaphore, #tpu.memory_space<semaphore_mem>>, %arg13: memref<!tpu.dma_semaphore, #tpu.memory_space<semaphore_mem>>) attributes {dimension_semantics = [#tpu.dimension_semantics<core_parallel>, #tpu.dimension_semantics<subcore_parallel>], iteration_bounds = array<i64: 2, 16>, scalar_prefetch = 0 : i64, scratch_operands = 7 : i64, tpu.core_type = #tpu.core_type<sc_vector_subcore>, window_params = [{transform_indices = #map}, {transform_indices = #map1}, {transform_indices = #map}, {transform_indices = #map2}, {transform_indices = #map1}]} {
    %mul3A = arith.constant 2 : i32
    %mul3A_0 = arith.muli %arg1, %mul3A : i32
    %add3A = arith.addi %mul3A_0, %arg0 : i32
    %mul3A_1 = arith.constant 80 : i32
    %mul3A_2 = arith.muli %add3A, %mul3A_1 : i32
    %mul3A_3 = arith.constant 640 : i32
    %mul3A_4 = arith.muli %arg1, %mul3A_3 : i32
    %mul3A_5 = arith.constant 640 : i32
    %mul3A_6 = arith.muli %arg1, %mul3A_5 : i32
    "tpu.region"() ({
      %run_scoped3A_37 = tpu.sem_alloc : memref<!tpu.dma_semaphore, #tpu.memory_space<semaphore_mem>>
      %dma_start3A_38 = arith.constant 0 : i32
      %dma_start3A_39 = tpu.memref_slice %arg7[%mul3A_6, %dma_start3A_38] : memref<10240x128xf32, #tpu.memory_space<vmem_shared>> -> memref<640x128xf32, #tpu.memory_space<vmem_shared>>
      %dma_start3A_40 = arith.constant 0 : i32
      %dma_start3A_41 = tpu.memref_slice %arg4[%mul3A_4, %dma_start3A_40] : memref<10240x128xf32, #tpu.memory_space<hbm>> -> memref<640x128xf32, #tpu.memory_space<hbm>>
      tpu.enqueue_dma source(%dma_start3A_41 : memref<640x128xf32, #tpu.memory_space<hbm>>) target(%dma_start3A_39 : memref<640x128xf32, #tpu.memory_space<vmem_shared>>) target_semaphore(%run_scoped3A_37 : memref<!tpu.dma_semaphore, #tpu.memory_space<semaphore_mem>>)
      %dma_wait3A = arith.constant 0 : i32
      %dma_wait3A_42 = tpu.memref_slice %arg7[%mul3A_6, %dma_wait3A] : memref<10240x128xf32, #tpu.memory_space<vmem_shared>> -> memref<640x128xf32, #tpu.memory_space<vmem_shared>>
      %dma_wait3A_43 = arith.constant 0 : i32
      %dma_wait3A_44 = tpu.memref_slice %arg4[%mul3A_4, %dma_wait3A_43] : memref<10240x128xf32, #tpu.memory_space<hbm>> -> memref<640x128xf32, #tpu.memory_space<hbm>>
      tpu.wait_dma2 semaphore(%run_scoped3A_37 : memref<!tpu.dma_semaphore, #tpu.memory_space<semaphore_mem>>) src(%dma_wait3A_44 : memref<640x128xf32, #tpu.memory_space<hbm>>) dst(%dma_wait3A_42 : memref<640x128xf32, #tpu.memory_space<vmem_shared>>)
      tpu.yield
    }) : () -> ()
    %barrier3A = arith.constant 0 : index
    tpu.barrier barrier_id(%barrier3A)
    %add3A_7 = arith.constant 0 : i32
    %add3A_8 = arith.addi %mul3A_2, %add3A_7 : i32
    %run_scoped3A = arith.constant 0 : i32
    "tpu.region"() ({
      %run_scoped3A_37 = tpu.sem_alloc : memref<!tpu.dma_semaphore, #tpu.memory_space<semaphore_mem>>
      %dma_start3A_38 = arith.constant 0 : i32
      %dma_start3A_39 = arith.constant 0 : i32
      %dma_start3A_40 = tpu.memref_slice %arg8[%run_scoped3A, %dma_start3A_38, %dma_start3A_39] : memref<2x2x128xi32, #tpu.memory_space<vmem>> -> memref<1x2x128xi32, #tpu.memory_space<vmem>>
      %dma_start3A_41 = tpu.memref_squeeze %dma_start3A_40 : memref<1x2x128xi32, #tpu.memory_space<vmem>> -> memref<2x128xi32, #tpu.memory_space<vmem>>
      %dma_start3A_42 = arith.constant 0 : i32
      %dma_start3A_43 = arith.constant 0 : i32
      %dma_start3A_44 = tpu.memref_slice %arg3[%add3A_8, %dma_start3A_42, %dma_start3A_43] : memref<2560x2x128xi32, #tpu.memory_space<hbm>> -> memref<1x2x128xi32, #tpu.memory_space<hbm>>
      %dma_start3A_45 = tpu.memref_squeeze %dma_start3A_44 : memref<1x2x128xi32, #tpu.memory_space<hbm>> -> memref<2x128xi32, #tpu.memory_space<hbm>>
      %dma_start3A_46 = arith.constant 0 : i32
      %dma_start3A_47 = arith.constant 0 : i32
      %dma_start3A_48 = tpu.memref_slice %arg8[%run_scoped3A, %dma_start3A_46, %dma_start3A_47] : memref<2x2x128xi32, #tpu.memory_space<vmem>> -> memref<1x2x128xi32, #tpu.memory_space<vmem>>
      %dma_start3A_49 = tpu.memref_squeeze %dma_start3A_48 : memref<1x2x128xi32, #tpu.memory_space<vmem>> -> memref<2x128xi32, #tpu.memory_space<vmem>>
      %dma_start3A_50 = arith.constant 0 : i32
      %dma_start3A_51 = arith.constant 0 : i32
      %dma_start3A_52 = tpu.memref_slice %arg3[%add3A_8, %dma_start3A_50, %dma_start3A_51] : memref<2560x2x128xi32, #tpu.memory_space<hbm>> -> memref<1x2x128xi32, #tpu.memory_space<hbm>>
      %dma_start3A_53 = tpu.memref_squeeze %dma_start3A_52 : memref<1x2x128xi32, #tpu.memory_space<hbm>> -> memref<2x128xi32, #tpu.memory_space<hbm>>
      tpu.enqueue_dma source(%dma_start3A_53 : memref<2x128xi32, #tpu.memory_space<hbm>>) target(%dma_start3A_49 : memref<2x128xi32, #tpu.memory_space<vmem>>) target_semaphore(%run_scoped3A_37 : memref<!tpu.dma_semaphore, #tpu.memory_space<semaphore_mem>>)
      %dma_wait3A = arith.constant 0 : i32
      %dma_wait3A_54 = arith.constant 0 : i32
      %dma_wait3A_55 = tpu.memref_slice %arg8[%run_scoped3A, %dma_wait3A, %dma_wait3A_54] : memref<2x2x128xi32, #tpu.memory_space<vmem>> -> memref<1x2x128xi32, #tpu.memory_space<vmem>>
      %dma_wait3A_56 = tpu.memref_squeeze %dma_wait3A_55 : memref<1x2x128xi32, #tpu.memory_space<vmem>> -> memref<2x128xi32, #tpu.memory_space<vmem>>
      %dma_wait3A_57 = arith.constant 0 : i32
      %dma_wait3A_58 = arith.constant 0 : i32
      %dma_wait3A_59 = tpu.memref_slice %arg3[%add3A_8, %dma_wait3A_57, %dma_wait3A_58] : memref<2560x2x128xi32, #tpu.memory_space<hbm>> -> memref<1x2x128xi32, #tpu.memory_space<hbm>>
      %dma_wait3A_60 = tpu.memref_squeeze %dma_wait3A_59 : memref<1x2x128xi32, #tpu.memory_space<hbm>> -> memref<2x128xi32, #tpu.memory_space<hbm>>
      %dma_wait3A_61 = arith.constant 0 : i32
      %dma_wait3A_62 = arith.constant 0 : i32
      %dma_wait3A_63 = tpu.memref_slice %arg8[%run_scoped3A, %dma_wait3A_61, %dma_wait3A_62] : memref<2x2x128xi32, #tpu.memory_space<vmem>> -> memref<1x2x128xi32, #tpu.memory_space<vmem>>
      %dma_wait3A_64 = tpu.memref_squeeze %dma_wait3A_63 : memref<1x2x128xi32, #tpu.memory_space<vmem>> -> memref<2x128xi32, #tpu.memory_space<vmem>>
      %dma_wait3A_65 = arith.constant 0 : i32
      %dma_wait3A_66 = arith.constant 0 : i32
      %dma_wait3A_67 = tpu.memref_slice %arg3[%add3A_8, %dma_wait3A_65, %dma_wait3A_66] : memref<2560x2x128xi32, #tpu.memory_space<hbm>> -> memref<1x2x128xi32, #tpu.memory_space<hbm>>
      %dma_wait3A_68 = tpu.memref_squeeze %dma_wait3A_67 : memref<1x2x128xi32, #tpu.memory_space<hbm>> -> memref<2x128xi32, #tpu.memory_space<hbm>>
      tpu.wait_dma2 semaphore(%run_scoped3A_37 : memref<!tpu.dma_semaphore, #tpu.memory_space<semaphore_mem>>) src(%dma_wait3A_68 : memref<2x128xi32, #tpu.memory_space<hbm>>) dst(%dma_wait3A_64 : memref<2x128xi32, #tpu.memory_space<vmem>>)
      tpu.yield
    }) : () -> ()
    %dma_start3A = arith.constant 0 : i32
    %dma_start3A_9 = arith.constant 0 : i32
    %dma_start3A_10 = arith.constant 0 : i32
    %dma_start3A_11 = tpu.memref_slice %arg8[%dma_start3A, %dma_start3A_9, %dma_start3A_10] : memref<2x2x128xi32, #tpu.memory_space<vmem>> -> memref<1x1x128xi32, #tpu.memory_space<vmem>>
    %dma_start3A_12 = tpu.memref_squeeze %dma_start3A_11 : memref<1x1x128xi32, #tpu.memory_space<vmem>> -> memref<128xi32, #tpu.memory_space<vmem>>
    %dma_start3A_13 = arith.constant 0 : i32
    %dma_start3A_14 = arith.constant 0 : i32
    %dma_start3A_15 = tpu.memref_slice %arg2[%dma_start3A_13, %dma_start3A_14] : memref<10240x128xf32, #tpu.memory_space<hbm>> -> memref<10240x128xf32, #tpu.memory_space<hbm>>
    tpu.enqueue_indirect_dma source(%dma_start3A_15 : memref<10240x128xf32, #tpu.memory_space<hbm>>) target(%arg9 : memref<128x128xf32, #tpu.memory_space<vmem>>) offsets(%dma_start3A_12 : memref<128xi32, #tpu.memory_space<vmem>>) semaphore(%arg11 : memref<!tpu.dma_semaphore, #tpu.memory_space<semaphore_mem>>)
    %add3A_16 = arith.constant 1 : i32
    %add3A_17 = arith.addi %mul3A_2, %add3A_16 : i32
    %run_scoped3A_18 = arith.constant 1 : i32
    "tpu.region"() ({
      %run_scoped3A_37 = tpu.sem_alloc : memref<!tpu.dma_semaphore, #tpu.memory_space<semaphore_mem>>
      %dma_start3A_38 = arith.constant 0 : i32
      %dma_start3A_39 = arith.constant 0 : i32
      %dma_start3A_40 = tpu.memref_slice %arg8[%run_scoped3A_18, %dma_start3A_38, %dma_start3A_39] : memref<2x2x128xi32, #tpu.memory_space<vmem>> -> memref<1x2x128xi32, #tpu.memory_space<vmem>>
      %dma_start3A_41 = tpu.memref_squeeze %dma_start3A_40 : memref<1x2x128xi32, #tpu.memory_space<vmem>> -> memref<2x128xi32, #tpu.memory_space<vmem>>
      %dma_start3A_42 = arith.constant 0 : i32
      %dma_start3A_43 = arith.constant 0 : i32
      %dma_start3A_44 = tpu.memref_slice %arg3[%add3A_17, %dma_start3A_42, %dma_start3A_43] : memref<2560x2x128xi32, #tpu.memory_space<hbm>> -> memref<1x2x128xi32, #tpu.memory_space<hbm>>
      %dma_start3A_45 = tpu.memref_squeeze %dma_start3A_44 : memref<1x2x128xi32, #tpu.memory_space<hbm>> -> memref<2x128xi32, #tpu.memory_space<hbm>>
      %dma_start3A_46 = arith.constant 0 : i32
      %dma_start3A_47 = arith.constant 0 : i32
      %dma_start3A_48 = tpu.memref_slice %arg8[%run_scoped3A_18, %dma_start3A_46, %dma_start3A_47] : memref<2x2x128xi32, #tpu.memory_space<vmem>> -> memref<1x2x128xi32, #tpu.memory_space<vmem>>
      %dma_start3A_49 = tpu.memref_squeeze %dma_start3A_48 : memref<1x2x128xi32, #tpu.memory_space<vmem>> -> memref<2x128xi32, #tpu.memory_space<vmem>>
      %dma_start3A_50 = arith.constant 0 : i32
      %dma_start3A_51 = arith.constant 0 : i32
      %dma_start3A_52 = tpu.memref_slice %arg3[%add3A_17, %dma_start3A_50, %dma_start3A_51] : memref<2560x2x128xi32, #tpu.memory_space<hbm>> -> memref<1x2x128xi32, #tpu.memory_space<hbm>>
      %dma_start3A_53 = tpu.memref_squeeze %dma_start3A_52 : memref<1x2x128xi32, #tpu.memory_space<hbm>> -> memref<2x128xi32, #tpu.memory_space<hbm>>
      tpu.enqueue_dma source(%dma_start3A_53 : memref<2x128xi32, #tpu.memory_space<hbm>>) target(%dma_start3A_49 : memref<2x128xi32, #tpu.memory_space<vmem>>) target_semaphore(%run_scoped3A_37 : memref<!tpu.dma_semaphore, #tpu.memory_space<semaphore_mem>>)
      %dma_wait3A = arith.constant 0 : i32
      %dma_wait3A_54 = arith.constant 0 : i32
      %dma_wait3A_55 = tpu.memref_slice %arg8[%run_scoped3A_18, %dma_wait3A, %dma_wait3A_54] : memref<2x2x128xi32, #tpu.memory_space<vmem>> -> memref<1x2x128xi32, #tpu.memory_space<vmem>>
      %dma_wait3A_56 = tpu.memref_squeeze %dma_wait3A_55 : memref<1x2x128xi32, #tpu.memory_space<vmem>> -> memref<2x128xi32, #tpu.memory_space<vmem>>
      %dma_wait3A_57 = arith.constant 0 : i32
      %dma_wait3A_58 = arith.constant 0 : i32
      %dma_wait3A_59 = tpu.memref_slice %arg3[%add3A_17, %dma_wait3A_57, %dma_wait3A_58] : memref<2560x2x128xi32, #tpu.memory_space<hbm>> -> memref<1x2x128xi32, #tpu.memory_space<hbm>>
      %dma_wait3A_60 = tpu.memref_squeeze %dma_wait3A_59 : memref<1x2x128xi32, #tpu.memory_space<hbm>> -> memref<2x128xi32, #tpu.memory_space<hbm>>
      %dma_wait3A_61 = arith.constant 0 : i32
      %dma_wait3A_62 = arith.constant 0 : i32
      %dma_wait3A_63 = tpu.memref_slice %arg8[%run_scoped3A_18, %dma_wait3A_61, %dma_wait3A_62] : memref<2x2x128xi32, #tpu.memory_space<vmem>> -> memref<1x2x128xi32, #tpu.memory_space<vmem>>
      %dma_wait3A_64 = tpu.memref_squeeze %dma_wait3A_63 : memref<1x2x128xi32, #tpu.memory_space<vmem>> -> memref<2x128xi32, #tpu.memory_space<vmem>>
      %dma_wait3A_65 = arith.constant 0 : i32
      %dma_wait3A_66 = arith.constant 0 : i32
      %dma_wait3A_67 = tpu.memref_slice %arg3[%add3A_17, %dma_wait3A_65, %dma_wait3A_66] : memref<2560x2x128xi32, #tpu.memory_space<hbm>> -> memref<1x2x128xi32, #tpu.memory_space<hbm>>
      %dma_wait3A_68 = tpu.memref_squeeze %dma_wait3A_67 : memref<1x2x128xi32, #tpu.memory_space<hbm>> -> memref<2x128xi32, #tpu.memory_space<hbm>>
      tpu.wait_dma2 semaphore(%run_scoped3A_37 : memref<!tpu.dma_semaphore, #tpu.memory_space<semaphore_mem>>) src(%dma_wait3A_68 : memref<2x128xi32, #tpu.memory_space<hbm>>) dst(%dma_wait3A_64 : memref<2x128xi32, #tpu.memory_space<vmem>>)
      tpu.yield
    }) : () -> ()
    %dma_start3A_19 = arith.constant 1 : i32
    %dma_start3A_20 = arith.constant 0 : i32
    %dma_start3A_21 = arith.constant 0 : i32
    %dma_start3A_22 = tpu.memref_slice %arg8[%dma_start3A_19, %dma_start3A_20, %dma_start3A_21] : memref<2x2x128xi32, #tpu.memory_space<vmem>> -> memref<1x1x128xi32, #tpu.memory_space<vmem>>
    %dma_start3A_23 = tpu.memref_squeeze %dma_start3A_22 : memref<1x1x128xi32, #tpu.memory_space<vmem>> -> memref<128xi32, #tpu.memory_space<vmem>>
    %dma_start3A_24 = arith.constant 0 : i32
    %dma_start3A_25 = arith.constant 0 : i32
    %dma_start3A_26 = tpu.memref_slice %arg2[%dma_start3A_24, %dma_start3A_25] : memref<10240x128xf32, #tpu.memory_space<hbm>> -> memref<10240x128xf32, #tpu.memory_space<hbm>>
    tpu.enqueue_indirect_dma source(%dma_start3A_26 : memref<10240x128xf32, #tpu.memory_space<hbm>>) target(%arg10 : memref<128x128xf32, #tpu.memory_space<vmem>>) offsets(%dma_start3A_23 : memref<128xi32, #tpu.memory_space<vmem>>) semaphore(%arg12 : memref<!tpu.dma_semaphore, #tpu.memory_space<semaphore_mem>>)
    %scan3A = arith.constant 0 : i32
    %scan3A_27 = arith.constant 0 : i32
    %scan3A_28 = arith.constant 40 : i32
    %scan3A_29 = arith.addi %scan3A_27, %scan3A_28 : i32
    %scan3A_30 = arith.constant 1 : i32
    scf.for %scan3A_37 = %scan3A_27 to %scan3A_29 step %scan3A_30  : i32 {
      %mul3A_38 = arith.constant 2 : i32
      %mul3A_39 = arith.muli %scan3A_37, %mul3A_38 : i32
      %add3A_40 = arith.constant 0 : i32
      %add3A_41 = arith.addi %mul3A_39, %add3A_40 : i32
      %dma_wait3A = arith.constant 0 : i32
      %dma_wait3A_42 = arith.constant 0 : i32
      %dma_wait3A_43 = arith.constant 0 : i32
      %dma_wait3A_44 = tpu.memref_slice %arg8[%dma_wait3A, %dma_wait3A_42, %dma_wait3A_43] : memref<2x2x128xi32, #tpu.memory_space<vmem>> -> memref<1x1x128xi32, #tpu.memory_space<vmem>>
      %dma_wait3A_45 = tpu.memref_squeeze %dma_wait3A_44 : memref<1x1x128xi32, #tpu.memory_space<vmem>> -> memref<128xi32, #tpu.memory_space<vmem>>
      %dma_wait3A_46 = arith.constant 0 : i32
      %dma_wait3A_47 = arith.constant 0 : i32
      %dma_wait3A_48 = tpu.memref_slice %arg2[%dma_wait3A_46, %dma_wait3A_47] : memref<10240x128xf32, #tpu.memory_space<hbm>> -> memref<10240x128xf32, #tpu.memory_space<hbm>>
      tpu.wait_indirect_dma semaphore(%arg11 : memref<!tpu.dma_semaphore, #tpu.memory_space<semaphore_mem>>) src(%dma_wait3A_48 : memref<10240x128xf32, #tpu.memory_space<hbm>>) dst(%arg9 : memref<128x128xf32, #tpu.memory_space<vmem>>)
      %run_scoped3A_49 = arith.constant 0 : i32
      %run_scoped3A_50 = arith.constant 1 : i32
      "tpu.region"() ({
        %run_scoped3A_72 = tpu.sem_alloc : memref<!tpu.dma_semaphore, #tpu.memory_space<semaphore_mem>>
        %dma_start3A_73 = arith.constant 0 : i32
        %dma_start3A_74 = tpu.memref_slice %arg8[%run_scoped3A_49, %run_scoped3A_50, %dma_start3A_73] : memref<2x2x128xi32, #tpu.memory_space<vmem>> -> memref<1x1x128xi32, #tpu.memory_space<vmem>>
        %dma_start3A_75 = tpu.memref_squeeze %dma_start3A_74 : memref<1x1x128xi32, #tpu.memory_space<vmem>> -> memref<128xi32, #tpu.memory_space<vmem>>
        %dma_start3A_76 = arith.constant 0 : i32
        %dma_start3A_77 = arith.constant 0 : i32
        %dma_start3A_78 = tpu.memref_slice %arg7[%dma_start3A_76, %dma_start3A_77] : memref<10240x128xf32, #tpu.memory_space<vmem_shared>> -> memref<10240x128xf32, #tpu.memory_space<vmem_shared>>
        tpu.enqueue_indirect_dma source(%arg9 : memref<128x128xf32, #tpu.memory_space<vmem>>) target(%dma_start3A_78 : memref<10240x128xf32, #tpu.memory_space<vmem_shared>>) offsets(%dma_start3A_75 : memref<128xi32, #tpu.memory_space<vmem>>) semaphore(%run_scoped3A_72 : memref<!tpu.dma_semaphore, #tpu.memory_space<semaphore_mem>>) {add = true}
        %dma_wait3A_79 = arith.constant 0 : i32
        %dma_wait3A_80 = tpu.memref_slice %arg8[%run_scoped3A_49, %run_scoped3A_50, %dma_wait3A_79] : memref<2x2x128xi32, #tpu.memory_space<vmem>> -> memref<1x1x128xi32, #tpu.memory_space<vmem>>
        %dma_wait3A_81 = tpu.memref_squeeze %dma_wait3A_80 : memref<1x1x128xi32, #tpu.memory_space<vmem>> -> memref<128xi32, #tpu.memory_space<vmem>>
        %dma_wait3A_82 = arith.constant 0 : i32
        %dma_wait3A_83 = arith.constant 0 : i32
        %dma_wait3A_84 = tpu.memref_slice %arg7[%dma_wait3A_82, %dma_wait3A_83] : memref<10240x128xf32, #tpu.memory_space<vmem_shared>> -> memref<10240x128xf32, #tpu.memory_space<vmem_shared>>
        tpu.wait_indirect_dma semaphore(%run_scoped3A_72 : memref<!tpu.dma_semaphore, #tpu.memory_space<semaphore_mem>>) src(%arg9 : memref<128x128xf32, #tpu.memory_space<vmem>>) dst(%dma_wait3A_84 : memref<10240x128xf32, #tpu.memory_space<vmem_shared>>)
        tpu.yield
      }) : () -> ()
      %lt3A = arith.constant 39 : i32
      %lt3A_51 = arith.cmpi slt, %scan3A_37, %lt3A : i32
      %convert_element_type3A = arith.extui %lt3A_51 : i1 to i32
      %cond3A = arith.constant 0 : i32
      %cond3A_52 = arith.cmpi ne, %convert_element_type3A, %cond3A : i32
      scf.if %cond3A_52 {
        %add3A_72 = arith.addi %mul3A_2, %add3A_41 : i32
        %add3A_73 = arith.constant 2 : i32
        %add3A_74 = arith.addi %add3A_72, %add3A_73 : i32
        %run_scoped3A_75 = arith.constant 0 : i32
        "tpu.region"() ({
          %run_scoped3A_84 = tpu.sem_alloc : memref<!tpu.dma_semaphore, #tpu.memory_space<semaphore_mem>>
          %dma_start3A_85 = arith.constant 0 : i32
          %dma_start3A_86 = arith.constant 0 : i32
          %dma_start3A_87 = tpu.memref_slice %arg8[%run_scoped3A_75, %dma_start3A_85, %dma_start3A_86] : memref<2x2x128xi32, #tpu.memory_space<vmem>> -> memref<1x2x128xi32, #tpu.memory_space<vmem>>
          %dma_start3A_88 = tpu.memref_squeeze %dma_start3A_87 : memref<1x2x128xi32, #tpu.memory_space<vmem>> -> memref<2x128xi32, #tpu.memory_space<vmem>>
          %dma_start3A_89 = arith.constant 0 : i32
          %dma_start3A_90 = arith.constant 0 : i32
          %dma_start3A_91 = tpu.memref_slice %arg3[%add3A_74, %dma_start3A_89, %dma_start3A_90] : memref<2560x2x128xi32, #tpu.memory_space<hbm>> -> memref<1x2x128xi32, #tpu.memory_space<hbm>>
          %dma_start3A_92 = tpu.memref_squeeze %dma_start3A_91 : memref<1x2x128xi32, #tpu.memory_space<hbm>> -> memref<2x128xi32, #tpu.memory_space<hbm>>
          %dma_start3A_93 = arith.constant 0 : i32
          %dma_start3A_94 = arith.constant 0 : i32
          %dma_start3A_95 = tpu.memref_slice %arg8[%run_scoped3A_75, %dma_start3A_93, %dma_start3A_94] : memref<2x2x128xi32, #tpu.memory_space<vmem>> -> memref<1x2x128xi32, #tpu.memory_space<vmem>>
          %dma_start3A_96 = tpu.memref_squeeze %dma_start3A_95 : memref<1x2x128xi32, #tpu.memory_space<vmem>> -> memref<2x128xi32, #tpu.memory_space<vmem>>
          %dma_start3A_97 = arith.constant 0 : i32
          %dma_start3A_98 = arith.constant 0 : i32
          %dma_start3A_99 = tpu.memref_slice %arg3[%add3A_74, %dma_start3A_97, %dma_start3A_98] : memref<2560x2x128xi32, #tpu.memory_space<hbm>> -> memref<1x2x128xi32, #tpu.memory_space<hbm>>
          %dma_start3A_100 = tpu.memref_squeeze %dma_start3A_99 : memref<1x2x128xi32, #tpu.memory_space<hbm>> -> memref<2x128xi32, #tpu.memory_space<hbm>>
          tpu.enqueue_dma source(%dma_start3A_100 : memref<2x128xi32, #tpu.memory_space<hbm>>) target(%dma_start3A_96 : memref<2x128xi32, #tpu.memory_space<vmem>>) target_semaphore(%run_scoped3A_84 : memref<!tpu.dma_semaphore, #tpu.memory_space<semaphore_mem>>)
          %dma_wait3A_101 = arith.constant 0 : i32
          %dma_wait3A_102 = arith.constant 0 : i32
          %dma_wait3A_103 = tpu.memref_slice %arg8[%run_scoped3A_75, %dma_wait3A_101, %dma_wait3A_102] : memref<2x2x128xi32, #tpu.memory_space<vmem>> -> memref<1x2x128xi32, #tpu.memory_space<vmem>>
          %dma_wait3A_104 = tpu.memref_squeeze %dma_wait3A_103 : memref<1x2x128xi32, #tpu.memory_space<vmem>> -> memref<2x128xi32, #tpu.memory_space<vmem>>
          %dma_wait3A_105 = arith.constant 0 : i32
          %dma_wait3A_106 = arith.constant 0 : i32
          %dma_wait3A_107 = tpu.memref_slice %arg3[%add3A_74, %dma_wait3A_105, %dma_wait3A_106] : memref<2560x2x128xi32, #tpu.memory_space<hbm>> -> memref<1x2x128xi32, #tpu.memory_space<hbm>>
          %dma_wait3A_108 = tpu.memref_squeeze %dma_wait3A_107 : memref<1x2x128xi32, #tpu.memory_space<hbm>> -> memref<2x128xi32, #tpu.memory_space<hbm>>
          %dma_wait3A_109 = arith.constant 0 : i32
          %dma_wait3A_110 = arith.constant 0 : i32
          %dma_wait3A_111 = tpu.memref_slice %arg8[%run_scoped3A_75, %dma_wait3A_109, %dma_wait3A_110] : memref<2x2x128xi32, #tpu.memory_space<vmem>> -> memref<1x2x128xi32, #tpu.memory_space<vmem>>
          %dma_wait3A_112 = tpu.memref_squeeze %dma_wait3A_111 : memref<1x2x128xi32, #tpu.memory_space<vmem>> -> memref<2x128xi32, #tpu.memory_space<vmem>>
          %dma_wait3A_113 = arith.constant 0 : i32
          %dma_wait3A_114 = arith.constant 0 : i32
          %dma_wait3A_115 = tpu.memref_slice %arg3[%add3A_74, %dma_wait3A_113, %dma_wait3A_114] : memref<2560x2x128xi32, #tpu.memory_space<hbm>> -> memref<1x2x128xi32, #tpu.memory_space<hbm>>
          %dma_wait3A_116 = tpu.memref_squeeze %dma_wait3A_115 : memref<1x2x128xi32, #tpu.memory_space<hbm>> -> memref<2x128xi32, #tpu.memory_space<hbm>>
          tpu.wait_dma2 semaphore(%run_scoped3A_84 : memref<!tpu.dma_semaphore, #tpu.memory_space<semaphore_mem>>) src(%dma_wait3A_116 : memref<2x128xi32, #tpu.memory_space<hbm>>) dst(%dma_wait3A_112 : memref<2x128xi32, #tpu.memory_space<vmem>>)
          tpu.yield
        }) : () -> ()
        %dma_start3A_76 = arith.constant 0 : i32
        %dma_start3A_77 = arith.constant 0 : i32
        %dma_start3A_78 = arith.constant 0 : i32
        %dma_start3A_79 = tpu.memref_slice %arg8[%dma_start3A_76, %dma_start3A_77, %dma_start3A_78] : memref<2x2x128xi32, #tpu.memory_space<vmem>> -> memref<1x1x128xi32, #tpu.memory_space<vmem>>
        %dma_start3A_80 = tpu.memref_squeeze %dma_start3A_79 : memref<1x1x128xi32, #tpu.memory_space<vmem>> -> memref<128xi32, #tpu.memory_space<vmem>>
        %dma_start3A_81 = arith.constant 0 : i32
        %dma_start3A_82 = arith.constant 0 : i32
        %dma_start3A_83 = tpu.memref_slice %arg2[%dma_start3A_81, %dma_start3A_82] : memref<10240x128xf32, #tpu.memory_space<hbm>> -> memref<10240x128xf32, #tpu.memory_space<hbm>>
        tpu.enqueue_indirect_dma source(%dma_start3A_83 : memref<10240x128xf32, #tpu.memory_space<hbm>>) target(%arg9 : memref<128x128xf32, #tpu.memory_space<vmem>>) offsets(%dma_start3A_80 : memref<128xi32, #tpu.memory_space<vmem>>) semaphore(%arg11 : memref<!tpu.dma_semaphore, #tpu.memory_space<semaphore_mem>>)
      } else {
      }
      %mul3A_53 = arith.constant 2 : i32
      %mul3A_54 = arith.muli %scan3A_37, %mul3A_53 : i32
      %add3A_55 = arith.constant 1 : i32
      %add3A_56 = arith.addi %mul3A_54, %add3A_55 : i32
      %dma_wait3A_57 = arith.constant 1 : i32
      %dma_wait3A_58 = arith.constant 0 : i32
      %dma_wait3A_59 = arith.constant 0 : i32
      %dma_wait3A_60 = tpu.memref_slice %arg8[%dma_wait3A_57, %dma_wait3A_58, %dma_wait3A_59] : memref<2x2x128xi32, #tpu.memory_space<vmem>> -> memref<1x1x128xi32, #tpu.memory_space<vmem>>
      %dma_wait3A_61 = tpu.memref_squeeze %dma_wait3A_60 : memref<1x1x128xi32, #tpu.memory_space<vmem>> -> memref<128xi32, #tpu.memory_space<vmem>>
      %dma_wait3A_62 = arith.constant 0 : i32
      %dma_wait3A_63 = arith.constant 0 : i32
      %dma_wait3A_64 = tpu.memref_slice %arg2[%dma_wait3A_62, %dma_wait3A_63] : memref<10240x128xf32, #tpu.memory_space<hbm>> -> memref<10240x128xf32, #tpu.memory_space<hbm>>
      tpu.wait_indirect_dma semaphore(%arg12 : memref<!tpu.dma_semaphore, #tpu.memory_space<semaphore_mem>>) src(%dma_wait3A_64 : memref<10240x128xf32, #tpu.memory_space<hbm>>) dst(%arg10 : memref<128x128xf32, #tpu.memory_space<vmem>>)
      %run_scoped3A_65 = arith.constant 1 : i32
      %run_scoped3A_66 = arith.constant 1 : i32
      "tpu.region"() ({
        %run_scoped3A_72 = tpu.sem_alloc : memref<!tpu.dma_semaphore, #tpu.memory_space<semaphore_mem>>
        %dma_start3A_73 = arith.constant 0 : i32
        %dma_start3A_74 = tpu.memref_slice %arg8[%run_scoped3A_65, %run_scoped3A_66, %dma_start3A_73] : memref<2x2x128xi32, #tpu.memory_space<vmem>> -> memref<1x1x128xi32, #tpu.memory_space<vmem>>
        %dma_start3A_75 = tpu.memref_squeeze %dma_start3A_74 : memref<1x1x128xi32, #tpu.memory_space<vmem>> -> memref<128xi32, #tpu.memory_space<vmem>>
        %dma_start3A_76 = arith.constant 0 : i32
        %dma_start3A_77 = arith.constant 0 : i32
        %dma_start3A_78 = tpu.memref_slice %arg7[%dma_start3A_76, %dma_start3A_77] : memref<10240x128xf32, #tpu.memory_space<vmem_shared>> -> memref<10240x128xf32, #tpu.memory_space<vmem_shared>>
        tpu.enqueue_indirect_dma source(%arg10 : memref<128x128xf32, #tpu.memory_space<vmem>>) target(%dma_start3A_78 : memref<10240x128xf32, #tpu.memory_space<vmem_shared>>) offsets(%dma_start3A_75 : memref<128xi32, #tpu.memory_space<vmem>>) semaphore(%run_scoped3A_72 : memref<!tpu.dma_semaphore, #tpu.memory_space<semaphore_mem>>) {add = true}
        %dma_wait3A_79 = arith.constant 0 : i32
        %dma_wait3A_80 = tpu.memref_slice %arg8[%run_scoped3A_65, %run_scoped3A_66, %dma_wait3A_79] : memref<2x2x128xi32, #tpu.memory_space<vmem>> -> memref<1x1x128xi32, #tpu.memory_space<vmem>>
        %dma_wait3A_81 = tpu.memref_squeeze %dma_wait3A_80 : memref<1x1x128xi32, #tpu.memory_space<vmem>> -> memref<128xi32, #tpu.memory_space<vmem>>
        %dma_wait3A_82 = arith.constant 0 : i32
        %dma_wait3A_83 = arith.constant 0 : i32
        %dma_wait3A_84 = tpu.memref_slice %arg7[%dma_wait3A_82, %dma_wait3A_83] : memref<10240x128xf32, #tpu.memory_space<vmem_shared>> -> memref<10240x128xf32, #tpu.memory_space<vmem_shared>>
        tpu.wait_indirect_dma semaphore(%run_scoped3A_72 : memref<!tpu.dma_semaphore, #tpu.memory_space<semaphore_mem>>) src(%arg10 : memref<128x128xf32, #tpu.memory_space<vmem>>) dst(%dma_wait3A_84 : memref<10240x128xf32, #tpu.memory_space<vmem_shared>>)
        tpu.yield
      }) : () -> ()
      %lt3A_67 = arith.constant 39 : i32
      %lt3A_68 = arith.cmpi slt, %scan3A_37, %lt3A_67 : i32
      %convert_element_type3A_69 = arith.extui %lt3A_68 : i1 to i32
      %cond3A_70 = arith.constant 0 : i32
      %cond3A_71 = arith.cmpi ne, %convert_element_type3A_69, %cond3A_70 : i32
      scf.if %cond3A_71 {
        %add3A_72 = arith.addi %mul3A_2, %add3A_56 : i32
        %add3A_73 = arith.constant 2 : i32
        %add3A_74 = arith.addi %add3A_72, %add3A_73 : i32
        %run_scoped3A_75 = arith.constant 1 : i32
        "tpu.region"() ({
          %run_scoped3A_84 = tpu.sem_alloc : memref<!tpu.dma_semaphore, #tpu.memory_space<semaphore_mem>>
          %dma_start3A_85 = arith.constant 0 : i32
          %dma_start3A_86 = arith.constant 0 : i32
          %dma_start3A_87 = tpu.memref_slice %arg8[%run_scoped3A_75, %dma_start3A_85, %dma_start3A_86] : memref<2x2x128xi32, #tpu.memory_space<vmem>> -> memref<1x2x128xi32, #tpu.memory_space<vmem>>
          %dma_start3A_88 = tpu.memref_squeeze %dma_start3A_87 : memref<1x2x128xi32, #tpu.memory_space<vmem>> -> memref<2x128xi32, #tpu.memory_space<vmem>>
          %dma_start3A_89 = arith.constant 0 : i32
          %dma_start3A_90 = arith.constant 0 : i32
          %dma_start3A_91 = tpu.memref_slice %arg3[%add3A_74, %dma_start3A_89, %dma_start3A_90] : memref<2560x2x128xi32, #tpu.memory_space<hbm>> -> memref<1x2x128xi32, #tpu.memory_space<hbm>>
          %dma_start3A_92 = tpu.memref_squeeze %dma_start3A_91 : memref<1x2x128xi32, #tpu.memory_space<hbm>> -> memref<2x128xi32, #tpu.memory_space<hbm>>
          %dma_start3A_93 = arith.constant 0 : i32
          %dma_start3A_94 = arith.constant 0 : i32
          %dma_start3A_95 = tpu.memref_slice %arg8[%run_scoped3A_75, %dma_start3A_93, %dma_start3A_94] : memref<2x2x128xi32, #tpu.memory_space<vmem>> -> memref<1x2x128xi32, #tpu.memory_space<vmem>>
          %dma_start3A_96 = tpu.memref_squeeze %dma_start3A_95 : memref<1x2x128xi32, #tpu.memory_space<vmem>> -> memref<2x128xi32, #tpu.memory_space<vmem>>
          %dma_start3A_97 = arith.constant 0 : i32
          %dma_start3A_98 = arith.constant 0 : i32
          %dma_start3A_99 = tpu.memref_slice %arg3[%add3A_74, %dma_start3A_97, %dma_start3A_98] : memref<2560x2x128xi32, #tpu.memory_space<hbm>> -> memref<1x2x128xi32, #tpu.memory_space<hbm>>
          %dma_start3A_100 = tpu.memref_squeeze %dma_start3A_99 : memref<1x2x128xi32, #tpu.memory_space<hbm>> -> memref<2x128xi32, #tpu.memory_space<hbm>>
          tpu.enqueue_dma source(%dma_start3A_100 : memref<2x128xi32, #tpu.memory_space<hbm>>) target(%dma_start3A_96 : memref<2x128xi32, #tpu.memory_space<vmem>>) target_semaphore(%run_scoped3A_84 : memref<!tpu.dma_semaphore, #tpu.memory_space<semaphore_mem>>)
          %dma_wait3A_101 = arith.constant 0 : i32
          %dma_wait3A_102 = arith.constant 0 : i32
          %dma_wait3A_103 = tpu.memref_slice %arg8[%run_scoped3A_75, %dma_wait3A_101, %dma_wait3A_102] : memref<2x2x128xi32, #tpu.memory_space<vmem>> -> memref<1x2x128xi32, #tpu.memory_space<vmem>>
          %dma_wait3A_104 = tpu.memref_squeeze %dma_wait3A_103 : memref<1x2x128xi32, #tpu.memory_space<vmem>> -> memref<2x128xi32, #tpu.memory_space<vmem>>
          %dma_wait3A_105 = arith.constant 0 : i32
          %dma_wait3A_106 = arith.constant 0 : i32
          %dma_wait3A_107 = tpu.memref_slice %arg3[%add3A_74, %dma_wait3A_105, %dma_wait3A_106] : memref<2560x2x128xi32, #tpu.memory_space<hbm>> -> memref<1x2x128xi32, #tpu.memory_space<hbm>>
          %dma_wait3A_108 = tpu.memref_squeeze %dma_wait3A_107 : memref<1x2x128xi32, #tpu.memory_space<hbm>> -> memref<2x128xi32, #tpu.memory_space<hbm>>
          %dma_wait3A_109 = arith.constant 0 : i32
          %dma_wait3A_110 = arith.constant 0 : i32
          %dma_wait3A_111 = tpu.memref_slice %arg8[%run_scoped3A_75, %dma_wait3A_109, %dma_wait3A_110] : memref<2x2x128xi32, #tpu.memory_space<vmem>> -> memref<1x2x128xi32, #tpu.memory_space<vmem>>
          %dma_wait3A_112 = tpu.memref_squeeze %dma_wait3A_111 : memref<1x2x128xi32, #tpu.memory_space<vmem>> -> memref<2x128xi32, #tpu.memory_space<vmem>>
          %dma_wait3A_113 = arith.constant 0 : i32
          %dma_wait3A_114 = arith.constant 0 : i32
          %dma_wait3A_115 = tpu.memref_slice %arg3[%add3A_74, %dma_wait3A_113, %dma_wait3A_114] : memref<2560x2x128xi32, #tpu.memory_space<hbm>> -> memref<1x2x128xi32, #tpu.memory_space<hbm>>
          %dma_wait3A_116 = tpu.memref_squeeze %dma_wait3A_115 : memref<1x2x128xi32, #tpu.memory_space<hbm>> -> memref<2x128xi32, #tpu.memory_space<hbm>>
          tpu.wait_dma2 semaphore(%run_scoped3A_84 : memref<!tpu.dma_semaphore, #tpu.memory_space<semaphore_mem>>) src(%dma_wait3A_116 : memref<2x128xi32, #tpu.memory_space<hbm>>) dst(%dma_wait3A_112 : memref<2x128xi32, #tpu.memory_space<vmem>>)
          tpu.yield
        }) : () -> ()
        %dma_start3A_76 = arith.constant 1 : i32
        %dma_start3A_77 = arith.constant 0 : i32
        %dma_start3A_78 = arith.constant 0 : i32
        %dma_start3A_79 = tpu.memref_slice %arg8[%dma_start3A_76, %dma_start3A_77, %dma_start3A_78] : memref<2x2x128xi32, #tpu.memory_space<vmem>> -> memref<1x1x128xi32, #tpu.memory_space<vmem>>
        %dma_start3A_80 = tpu.memref_squeeze %dma_start3A_79 : memref<1x1x128xi32, #tpu.memory_space<vmem>> -> memref<128xi32, #tpu.memory_space<vmem>>
        %dma_start3A_81 = arith.constant 0 : i32
        %dma_start3A_82 = arith.constant 0 : i32
        %dma_start3A_83 = tpu.memref_slice %arg2[%dma_start3A_81, %dma_start3A_82] : memref<10240x128xf32, #tpu.memory_space<hbm>> -> memref<10240x128xf32, #tpu.memory_space<hbm>>
        tpu.enqueue_indirect_dma source(%dma_start3A_83 : memref<10240x128xf32, #tpu.memory_space<hbm>>) target(%arg10 : memref<128x128xf32, #tpu.memory_space<vmem>>) offsets(%dma_start3A_80 : memref<128xi32, #tpu.memory_space<vmem>>) semaphore(%arg12 : memref<!tpu.dma_semaphore, #tpu.memory_space<semaphore_mem>>)
      } else {
      }
    }
    %scan3A_31 = arith.constant 40 : i32
    %barrier3A_32 = arith.constant 0 : index
    tpu.barrier barrier_id(%barrier3A_32)
    %mul3A_33 = arith.constant 640 : i32
    %mul3A_34 = arith.muli %arg1, %mul3A_33 : i32
    %mul3A_35 = arith.constant 640 : i32
    %mul3A_36 = arith.muli %arg1, %mul3A_35 : i32
    "tpu.region"() ({
      %run_scoped3A_37 = tpu.sem_alloc : memref<!tpu.dma_semaphore, #tpu.memory_space<semaphore_mem>>
      %dma_start3A_38 = arith.constant 0 : i32
      %dma_start3A_39 = tpu.memref_slice %arg6[%arg0, %mul3A_36, %dma_start3A_38] : memref<2x10240x128xf32, #tpu.memory_space<hbm>> -> memref<1x640x128xf32, #tpu.memory_space<hbm>>
      %dma_start3A_40 = tpu.memref_squeeze %dma_start3A_39 : memref<1x640x128xf32, #tpu.memory_space<hbm>> -> memref<640x128xf32, #tpu.memory_space<hbm>>
      %dma_start3A_41 = arith.constant 0 : i32
      %dma_start3A_42 = tpu.memref_slice %arg7[%mul3A_34, %dma_start3A_41] : memref<10240x128xf32, #tpu.memory_space<vmem_shared>> -> memref<640x128xf32, #tpu.memory_space<vmem_shared>>
      tpu.enqueue_dma source(%dma_start3A_42 : memref<640x128xf32, #tpu.memory_space<vmem_shared>>) target(%dma_start3A_40 : memref<640x128xf32, #tpu.memory_space<hbm>>) target_semaphore(%run_scoped3A_37 : memref<!tpu.dma_semaphore, #tpu.memory_space<semaphore_mem>>)
      %dma_wait3A = arith.constant 0 : i32
      %dma_wait3A_43 = tpu.memref_slice %arg6[%arg0, %mul3A_36, %dma_wait3A] : memref<2x10240x128xf32, #tpu.memory_space<hbm>> -> memref<1x640x128xf32, #tpu.memory_space<hbm>>
      %dma_wait3A_44 = tpu.memref_squeeze %dma_wait3A_43 : memref<1x640x128xf32, #tpu.memory_space<hbm>> -> memref<640x128xf32, #tpu.memory_space<hbm>>
      %dma_wait3A_45 = arith.constant 0 : i32
      %dma_wait3A_46 = tpu.memref_slice %arg7[%mul3A_34, %dma_wait3A_45] : memref<10240x128xf32, #tpu.memory_space<vmem_shared>> -> memref<640x128xf32, #tpu.memory_space<vmem_shared>>
      tpu.wait_dma2 semaphore(%run_scoped3A_37 : memref<!tpu.dma_semaphore, #tpu.memory_space<semaphore_mem>>) src(%dma_wait3A_46 : memref<640x128xf32, #tpu.memory_space<vmem_shared>>) dst(%dma_wait3A_44 : memref<640x128xf32, #tpu.memory_space<hbm>>)
      tpu.yield
    }) : () -> ()
    return
  }
}

#map = affine_map<(d0, d1) -> (0, 0)>
#map1 = affine_map<(d0, d1) -> (0, 0, 0)>
#map2 = affine_map<(d0, d1) -> (0)>
module attributes {stable_mosaic.version = 14 : i64} {
  func.func @body(%arg0: i32, %arg1: i32, %arg2: memref<10240x128xf32, #tpu.memory_space<hbm>>, %arg3: memref<2560x2x128xi32, #tpu.memory_space<hbm>>, %arg4: memref<10240x128xf32, #tpu.memory_space<hbm>>, %arg5: memref<10240xf32, #tpu.memory_space<hbm>>, %arg6: memref<2x10240x128xf32, #tpu.memory_space<hbm>>, %arg7: memref<2x10240xf32, #tpu.memory_space<hbm>>, %arg8: memref<10240x128xf32, #tpu.memory_space<vmem_shared>>, %arg9: memref<2x2x128xi32, #tpu.memory_space<vmem>>, %arg10: memref<128x128xf32, #tpu.memory_space<vmem>>, %arg11: memref<128x128xf32, #tpu.memory_space<vmem>>, %arg12: memref<!tpu.dma_semaphore, #tpu.memory_space<semaphore_mem>>, %arg13: memref<!tpu.dma_semaphore, #tpu.memory_space<semaphore_mem>>, %arg14: memref<!tpu.dma_semaphore, #tpu.memory_space<semaphore_mem>>, %arg15: memref<10240xf32, #tpu.memory_space<vmem_shared>>, %arg16: memref<128xf32, #tpu.memory_space<vmem>>) attributes {dimension_semantics = [#tpu.dimension_semantics<core_parallel>, #tpu.dimension_semantics<subcore_parallel>], iteration_bounds = array<i64: 2, 16>, scalar_prefetch = 0 : i64, scratch_operands = 9 : i64, tpu.core_type = #tpu.core_type<sc_vector_subcore>, window_params = [{transform_indices = #map}, {transform_indices = #map1}, {transform_indices = #map}, {transform_indices = #map2}, {transform_indices = #map1}, {transform_indices = #map}]} {
    %mul3A = arith.constant 2 : i32
    %mul3A_0 = arith.muli %arg1, %mul3A : i32
    %add3A = arith.addi %mul3A_0, %arg0 : i32
    %mul3A_1 = arith.constant 80 : i32
    %mul3A_2 = arith.muli %add3A, %mul3A_1 : i32
    %mul3A_3 = arith.constant 640 : i32
    %mul3A_4 = arith.muli %arg1, %mul3A_3 : i32
    %mul3A_5 = arith.constant 640 : i32
    %mul3A_6 = arith.muli %arg1, %mul3A_5 : i32
    "tpu.region"() ({
      %run_scoped3A_77 = tpu.sem_alloc : memref<!tpu.dma_semaphore, #tpu.memory_space<semaphore_mem>>
      %dma_start3A_78 = arith.constant 0 : i32
      %dma_start3A_79 = tpu.memref_slice %arg8[%mul3A_6, %dma_start3A_78] : memref<10240x128xf32, #tpu.memory_space<vmem_shared>> -> memref<640x128xf32, #tpu.memory_space<vmem_shared>>
      %dma_start3A_80 = arith.constant 0 : i32
      %dma_start3A_81 = tpu.memref_slice %arg4[%mul3A_4, %dma_start3A_80] : memref<10240x128xf32, #tpu.memory_space<hbm>> -> memref<640x128xf32, #tpu.memory_space<hbm>>
      tpu.enqueue_dma source(%dma_start3A_81 : memref<640x128xf32, #tpu.memory_space<hbm>>) target(%dma_start3A_79 : memref<640x128xf32, #tpu.memory_space<vmem_shared>>) target_semaphore(%run_scoped3A_77 : memref<!tpu.dma_semaphore, #tpu.memory_space<semaphore_mem>>)
      %dma_wait3A = arith.constant 0 : i32
      %dma_wait3A_82 = tpu.memref_slice %arg8[%mul3A_6, %dma_wait3A] : memref<10240x128xf32, #tpu.memory_space<vmem_shared>> -> memref<640x128xf32, #tpu.memory_space<vmem_shared>>
      %dma_wait3A_83 = arith.constant 0 : i32
      %dma_wait3A_84 = tpu.memref_slice %arg4[%mul3A_4, %dma_wait3A_83] : memref<10240x128xf32, #tpu.memory_space<hbm>> -> memref<640x128xf32, #tpu.memory_space<hbm>>
      tpu.wait_dma2 semaphore(%run_scoped3A_77 : memref<!tpu.dma_semaphore, #tpu.memory_space<semaphore_mem>>) src(%dma_wait3A_84 : memref<640x128xf32, #tpu.memory_space<hbm>>) dst(%dma_wait3A_82 : memref<640x128xf32, #tpu.memory_space<vmem_shared>>)
      tpu.yield
    }) : () -> ()
    %mul3A_7 = arith.constant 640 : i32
    %mul3A_8 = arith.muli %arg1, %mul3A_7 : i32
    %mul3A_9 = arith.constant 640 : i32
    %mul3A_10 = arith.muli %arg1, %mul3A_9 : i32
    "tpu.region"() ({
      %run_scoped3A_77 = tpu.sem_alloc : memref<!tpu.dma_semaphore, #tpu.memory_space<semaphore_mem>>
      %dma_start3A_78 = tpu.memref_slice %arg15[%mul3A_10] : memref<10240xf32, #tpu.memory_space<vmem_shared>> -> memref<640xf32, #tpu.memory_space<vmem_shared>>
      %dma_start3A_79 = tpu.memref_slice %arg5[%mul3A_8] : memref<10240xf32, #tpu.memory_space<hbm>> -> memref<640xf32, #tpu.memory_space<hbm>>
      tpu.enqueue_dma source(%dma_start3A_79 : memref<640xf32, #tpu.memory_space<hbm>>) target(%dma_start3A_78 : memref<640xf32, #tpu.memory_space<vmem_shared>>) target_semaphore(%run_scoped3A_77 : memref<!tpu.dma_semaphore, #tpu.memory_space<semaphore_mem>>)
      %dma_wait3A = tpu.memref_slice %arg15[%mul3A_10] : memref<10240xf32, #tpu.memory_space<vmem_shared>> -> memref<640xf32, #tpu.memory_space<vmem_shared>>
      %dma_wait3A_80 = tpu.memref_slice %arg5[%mul3A_8] : memref<10240xf32, #tpu.memory_space<hbm>> -> memref<640xf32, #tpu.memory_space<hbm>>
      tpu.wait_dma2 semaphore(%run_scoped3A_77 : memref<!tpu.dma_semaphore, #tpu.memory_space<semaphore_mem>>) src(%dma_wait3A_80 : memref<640xf32, #tpu.memory_space<hbm>>) dst(%dma_wait3A : memref<640xf32, #tpu.memory_space<vmem_shared>>)
      tpu.yield
    }) : () -> ()
    %broadcast_in_dim3A = arith.constant 1.000000e+00 : f32
    %broadcast_in_dim3A_11 = vector.broadcast %broadcast_in_dim3A : f32 to vector<16xf32>
    %swap3A = arith.constant 0 : index
    %swap3A_12 = tpu.vector_load %arg16[%swap3A] {strides = array<i32>} : memref<128xf32, #tpu.memory_space<vmem>>, vector<16xf32>,
    %swap3A_13 = vector.shape_cast %swap3A_12 : vector<16xf32> to vector<16xf32>
    %swap3A_14 = vector.shape_cast %broadcast_in_dim3A_11 : vector<16xf32> to vector<16xf32>
    tpu.vector_store %arg16[%swap3A], %swap3A_14 {strides = array<i32>} : memref<128xf32, #tpu.memory_space<vmem>>, vector<16xf32>,
    %swap3A_15 = arith.constant 16 : index
    %swap3A_16 = tpu.vector_load %arg16[%swap3A_15] {strides = array<i32>} : memref<128xf32, #tpu.memory_space<vmem>>, vector<16xf32>,
    %swap3A_17 = vector.shape_cast %swap3A_16 : vector<16xf32> to vector<16xf32>
    %swap3A_18 = vector.shape_cast %broadcast_in_dim3A_11 : vector<16xf32> to vector<16xf32>
    tpu.vector_store %arg16[%swap3A_15], %swap3A_18 {strides = array<i32>} : memref<128xf32, #tpu.memory_space<vmem>>, vector<16xf32>,
    %swap3A_19 = arith.constant 32 : index
    %swap3A_20 = tpu.vector_load %arg16[%swap3A_19] {strides = array<i32>} : memref<128xf32, #tpu.memory_space<vmem>>, vector<16xf32>,
    %swap3A_21 = vector.shape_cast %swap3A_20 : vector<16xf32> to vector<16xf32>
    %swap3A_22 = vector.shape_cast %broadcast_in_dim3A_11 : vector<16xf32> to vector<16xf32>
    tpu.vector_store %arg16[%swap3A_19], %swap3A_22 {strides = array<i32>} : memref<128xf32, #tpu.memory_space<vmem>>, vector<16xf32>,
    %swap3A_23 = arith.constant 48 : index
    %swap3A_24 = tpu.vector_load %arg16[%swap3A_23] {strides = array<i32>} : memref<128xf32, #tpu.memory_space<vmem>>, vector<16xf32>,
    %swap3A_25 = vector.shape_cast %swap3A_24 : vector<16xf32> to vector<16xf32>
    %swap3A_26 = vector.shape_cast %broadcast_in_dim3A_11 : vector<16xf32> to vector<16xf32>
    tpu.vector_store %arg16[%swap3A_23], %swap3A_26 {strides = array<i32>} : memref<128xf32, #tpu.memory_space<vmem>>, vector<16xf32>,
    %swap3A_27 = arith.constant 64 : index
    %swap3A_28 = tpu.vector_load %arg16[%swap3A_27] {strides = array<i32>} : memref<128xf32, #tpu.memory_space<vmem>>, vector<16xf32>,
    %swap3A_29 = vector.shape_cast %swap3A_28 : vector<16xf32> to vector<16xf32>
    %swap3A_30 = vector.shape_cast %broadcast_in_dim3A_11 : vector<16xf32> to vector<16xf32>
    tpu.vector_store %arg16[%swap3A_27], %swap3A_30 {strides = array<i32>} : memref<128xf32, #tpu.memory_space<vmem>>, vector<16xf32>,
    %swap3A_31 = arith.constant 80 : index
    %swap3A_32 = tpu.vector_load %arg16[%swap3A_31] {strides = array<i32>} : memref<128xf32, #tpu.memory_space<vmem>>, vector<16xf32>,
    %swap3A_33 = vector.shape_cast %swap3A_32 : vector<16xf32> to vector<16xf32>
    %swap3A_34 = vector.shape_cast %broadcast_in_dim3A_11 : vector<16xf32> to vector<16xf32>
    tpu.vector_store %arg16[%swap3A_31], %swap3A_34 {strides = array<i32>} : memref<128xf32, #tpu.memory_space<vmem>>, vector<16xf32>,
    %swap3A_35 = arith.constant 96 : index
    %swap3A_36 = tpu.vector_load %arg16[%swap3A_35] {strides = array<i32>} : memref<128xf32, #tpu.memory_space<vmem>>, vector<16xf32>,
    %swap3A_37 = vector.shape_cast %swap3A_36 : vector<16xf32> to vector<16xf32>
    %swap3A_38 = vector.shape_cast %broadcast_in_dim3A_11 : vector<16xf32> to vector<16xf32>
    tpu.vector_store %arg16[%swap3A_35], %swap3A_38 {strides = array<i32>} : memref<128xf32, #tpu.memory_space<vmem>>, vector<16xf32>,
    %swap3A_39 = arith.constant 112 : index
    %swap3A_40 = tpu.vector_load %arg16[%swap3A_39] {strides = array<i32>} : memref<128xf32, #tpu.memory_space<vmem>>, vector<16xf32>,
    %swap3A_41 = vector.shape_cast %swap3A_40 : vector<16xf32> to vector<16xf32>
    %swap3A_42 = vector.shape_cast %broadcast_in_dim3A_11 : vector<16xf32> to vector<16xf32>
    tpu.vector_store %arg16[%swap3A_39], %swap3A_42 {strides = array<i32>} : memref<128xf32, #tpu.memory_space<vmem>>, vector<16xf32>,
    %barrier3A = arith.constant 0 : index
    tpu.barrier barrier_id(%barrier3A)
    %add3A_43 = arith.constant 0 : i32
    %add3A_44 = arith.addi %mul3A_2, %add3A_43 : i32
    %run_scoped3A = arith.constant 0 : i32
    "tpu.region"() ({
      %run_scoped3A_77 = tpu.sem_alloc : memref<!tpu.dma_semaphore, #tpu.memory_space<semaphore_mem>>
      %dma_start3A_78 = arith.constant 0 : i32
      %dma_start3A_79 = arith.constant 0 : i32
      %dma_start3A_80 = tpu.memref_slice %arg9[%run_scoped3A, %dma_start3A_78, %dma_start3A_79] : memref<2x2x128xi32, #tpu.memory_space<vmem>> -> memref<1x2x128xi32, #tpu.memory_space<vmem>>
      %dma_start3A_81 = tpu.memref_squeeze %dma_start3A_80 : memref<1x2x128xi32, #tpu.memory_space<vmem>> -> memref<2x128xi32, #tpu.memory_space<vmem>>
      %dma_start3A_82 = arith.constant 0 : i32
      %dma_start3A_83 = arith.constant 0 : i32
      %dma_start3A_84 = tpu.memref_slice %arg3[%add3A_44, %dma_start3A_82, %dma_start3A_83] : memref<2560x2x128xi32, #tpu.memory_space<hbm>> -> memref<1x2x128xi32, #tpu.memory_space<hbm>>
      %dma_start3A_85 = tpu.memref_squeeze %dma_start3A_84 : memref<1x2x128xi32, #tpu.memory_space<hbm>> -> memref<2x128xi32, #tpu.memory_space<hbm>>
      %dma_start3A_86 = arith.constant 0 : i32
      %dma_start3A_87 = arith.constant 0 : i32
      %dma_start3A_88 = tpu.memref_slice %arg9[%run_scoped3A, %dma_start3A_86, %dma_start3A_87] : memref<2x2x128xi32, #tpu.memory_space<vmem>> -> memref<1x2x128xi32, #tpu.memory_space<vmem>>
      %dma_start3A_89 = tpu.memref_squeeze %dma_start3A_88 : memref<1x2x128xi32, #tpu.memory_space<vmem>> -> memref<2x128xi32, #tpu.memory_space<vmem>>
      %dma_start3A_90 = arith.constant 0 : i32
      %dma_start3A_91 = arith.constant 0 : i32
      %dma_start3A_92 = tpu.memref_slice %arg3[%add3A_44, %dma_start3A_90, %dma_start3A_91] : memref<2560x2x128xi32, #tpu.memory_space<hbm>> -> memref<1x2x128xi32, #tpu.memory_space<hbm>>
      %dma_start3A_93 = tpu.memref_squeeze %dma_start3A_92 : memref<1x2x128xi32, #tpu.memory_space<hbm>> -> memref<2x128xi32, #tpu.memory_space<hbm>>
      tpu.enqueue_dma source(%dma_start3A_93 : memref<2x128xi32, #tpu.memory_space<hbm>>) target(%dma_start3A_89 : memref<2x128xi32, #tpu.memory_space<vmem>>) target_semaphore(%run_scoped3A_77 : memref<!tpu.dma_semaphore, #tpu.memory_space<semaphore_mem>>)
      %dma_wait3A = arith.constant 0 : i32
      %dma_wait3A_94 = arith.constant 0 : i32
      %dma_wait3A_95 = tpu.memref_slice %arg9[%run_scoped3A, %dma_wait3A, %dma_wait3A_94] : memref<2x2x128xi32, #tpu.memory_space<vmem>> -> memref<1x2x128xi32, #tpu.memory_space<vmem>>
      %dma_wait3A_96 = tpu.memref_squeeze %dma_wait3A_95 : memref<1x2x128xi32, #tpu.memory_space<vmem>> -> memref<2x128xi32, #tpu.memory_space<vmem>>
      %dma_wait3A_97 = arith.constant 0 : i32
      %dma_wait3A_98 = arith.constant 0 : i32
      %dma_wait3A_99 = tpu.memref_slice %arg3[%add3A_44, %dma_wait3A_97, %dma_wait3A_98] : memref<2560x2x128xi32, #tpu.memory_space<hbm>> -> memref<1x2x128xi32, #tpu.memory_space<hbm>>
      %dma_wait3A_100 = tpu.memref_squeeze %dma_wait3A_99 : memref<1x2x128xi32, #tpu.memory_space<hbm>> -> memref<2x128xi32, #tpu.memory_space<hbm>>
      %dma_wait3A_101 = arith.constant 0 : i32
      %dma_wait3A_102 = arith.constant 0 : i32
      %dma_wait3A_103 = tpu.memref_slice %arg9[%run_scoped3A, %dma_wait3A_101, %dma_wait3A_102] : memref<2x2x128xi32, #tpu.memory_space<vmem>> -> memref<1x2x128xi32, #tpu.memory_space<vmem>>
      %dma_wait3A_104 = tpu.memref_squeeze %dma_wait3A_103 : memref<1x2x128xi32, #tpu.memory_space<vmem>> -> memref<2x128xi32, #tpu.memory_space<vmem>>
      %dma_wait3A_105 = arith.constant 0 : i32
      %dma_wait3A_106 = arith.constant 0 : i32
      %dma_wait3A_107 = tpu.memref_slice %arg3[%add3A_44, %dma_wait3A_105, %dma_wait3A_106] : memref<2560x2x128xi32, #tpu.memory_space<hbm>> -> memref<1x2x128xi32, #tpu.memory_space<hbm>>
      %dma_wait3A_108 = tpu.memref_squeeze %dma_wait3A_107 : memref<1x2x128xi32, #tpu.memory_space<hbm>> -> memref<2x128xi32, #tpu.memory_space<hbm>>
      tpu.wait_dma2 semaphore(%run_scoped3A_77 : memref<!tpu.dma_semaphore, #tpu.memory_space<semaphore_mem>>) src(%dma_wait3A_108 : memref<2x128xi32, #tpu.memory_space<hbm>>) dst(%dma_wait3A_104 : memref<2x128xi32, #tpu.memory_space<vmem>>)
      tpu.yield
    }) : () -> ()
    %dma_start3A = arith.constant 0 : i32
    %dma_start3A_45 = arith.constant 0 : i32
    %dma_start3A_46 = arith.constant 0 : i32
    %dma_start3A_47 = tpu.memref_slice %arg9[%dma_start3A, %dma_start3A_45, %dma_start3A_46] : memref<2x2x128xi32, #tpu.memory_space<vmem>> -> memref<1x1x128xi32, #tpu.memory_space<vmem>>
    %dma_start3A_48 = tpu.memref_squeeze %dma_start3A_47 : memref<1x1x128xi32, #tpu.memory_space<vmem>> -> memref<128xi32, #tpu.memory_space<vmem>>
    %dma_start3A_49 = arith.constant 0 : i32
    %dma_start3A_50 = arith.constant 0 : i32
    %dma_start3A_51 = tpu.memref_slice %arg2[%dma_start3A_49, %dma_start3A_50] : memref<10240x128xf32, #tpu.memory_space<hbm>> -> memref<10240x128xf32, #tpu.memory_space<hbm>>
    tpu.enqueue_indirect_dma source(%dma_start3A_51 : memref<10240x128xf32, #tpu.memory_space<hbm>>) target(%arg10 : memref<128x128xf32, #tpu.memory_space<vmem>>) offsets(%dma_start3A_48 : memref<128xi32, #tpu.memory_space<vmem>>) semaphore(%arg12 : memref<!tpu.dma_semaphore, #tpu.memory_space<semaphore_mem>>)
    %add3A_52 = arith.constant 1 : i32
    %add3A_53 = arith.addi %mul3A_2, %add3A_52 : i32
    %run_scoped3A_54 = arith.constant 1 : i32
    "tpu.region"() ({
      %run_scoped3A_77 = tpu.sem_alloc : memref<!tpu.dma_semaphore, #tpu.memory_space<semaphore_mem>>
      %dma_start3A_78 = arith.constant 0 : i32
      %dma_start3A_79 = arith.constant 0 : i32
      %dma_start3A_80 = tpu.memref_slice %arg9[%run_scoped3A_54, %dma_start3A_78, %dma_start3A_79] : memref<2x2x128xi32, #tpu.memory_space<vmem>> -> memref<1x2x128xi32, #tpu.memory_space<vmem>>
      %dma_start3A_81 = tpu.memref_squeeze %dma_start3A_80 : memref<1x2x128xi32, #tpu.memory_space<vmem>> -> memref<2x128xi32, #tpu.memory_space<vmem>>
      %dma_start3A_82 = arith.constant 0 : i32
      %dma_start3A_83 = arith.constant 0 : i32
      %dma_start3A_84 = tpu.memref_slice %arg3[%add3A_53, %dma_start3A_82, %dma_start3A_83] : memref<2560x2x128xi32, #tpu.memory_space<hbm>> -> memref<1x2x128xi32, #tpu.memory_space<hbm>>
      %dma_start3A_85 = tpu.memref_squeeze %dma_start3A_84 : memref<1x2x128xi32, #tpu.memory_space<hbm>> -> memref<2x128xi32, #tpu.memory_space<hbm>>
      %dma_start3A_86 = arith.constant 0 : i32
      %dma_start3A_87 = arith.constant 0 : i32
      %dma_start3A_88 = tpu.memref_slice %arg9[%run_scoped3A_54, %dma_start3A_86, %dma_start3A_87] : memref<2x2x128xi32, #tpu.memory_space<vmem>> -> memref<1x2x128xi32, #tpu.memory_space<vmem>>
      %dma_start3A_89 = tpu.memref_squeeze %dma_start3A_88 : memref<1x2x128xi32, #tpu.memory_space<vmem>> -> memref<2x128xi32, #tpu.memory_space<vmem>>
      %dma_start3A_90 = arith.constant 0 : i32
      %dma_start3A_91 = arith.constant 0 : i32
      %dma_start3A_92 = tpu.memref_slice %arg3[%add3A_53, %dma_start3A_90, %dma_start3A_91] : memref<2560x2x128xi32, #tpu.memory_space<hbm>> -> memref<1x2x128xi32, #tpu.memory_space<hbm>>
      %dma_start3A_93 = tpu.memref_squeeze %dma_start3A_92 : memref<1x2x128xi32, #tpu.memory_space<hbm>> -> memref<2x128xi32, #tpu.memory_space<hbm>>
      tpu.enqueue_dma source(%dma_start3A_93 : memref<2x128xi32, #tpu.memory_space<hbm>>) target(%dma_start3A_89 : memref<2x128xi32, #tpu.memory_space<vmem>>) target_semaphore(%run_scoped3A_77 : memref<!tpu.dma_semaphore, #tpu.memory_space<semaphore_mem>>)
      %dma_wait3A = arith.constant 0 : i32
      %dma_wait3A_94 = arith.constant 0 : i32
      %dma_wait3A_95 = tpu.memref_slice %arg9[%run_scoped3A_54, %dma_wait3A, %dma_wait3A_94] : memref<2x2x128xi32, #tpu.memory_space<vmem>> -> memref<1x2x128xi32, #tpu.memory_space<vmem>>
      %dma_wait3A_96 = tpu.memref_squeeze %dma_wait3A_95 : memref<1x2x128xi32, #tpu.memory_space<vmem>> -> memref<2x128xi32, #tpu.memory_space<vmem>>
      %dma_wait3A_97 = arith.constant 0 : i32
      %dma_wait3A_98 = arith.constant 0 : i32
      %dma_wait3A_99 = tpu.memref_slice %arg3[%add3A_53, %dma_wait3A_97, %dma_wait3A_98] : memref<2560x2x128xi32, #tpu.memory_space<hbm>> -> memref<1x2x128xi32, #tpu.memory_space<hbm>>
      %dma_wait3A_100 = tpu.memref_squeeze %dma_wait3A_99 : memref<1x2x128xi32, #tpu.memory_space<hbm>> -> memref<2x128xi32, #tpu.memory_space<hbm>>
      %dma_wait3A_101 = arith.constant 0 : i32
      %dma_wait3A_102 = arith.constant 0 : i32
      %dma_wait3A_103 = tpu.memref_slice %arg9[%run_scoped3A_54, %dma_wait3A_101, %dma_wait3A_102] : memref<2x2x128xi32, #tpu.memory_space<vmem>> -> memref<1x2x128xi32, #tpu.memory_space<vmem>>
      %dma_wait3A_104 = tpu.memref_squeeze %dma_wait3A_103 : memref<1x2x128xi32, #tpu.memory_space<vmem>> -> memref<2x128xi32, #tpu.memory_space<vmem>>
      %dma_wait3A_105 = arith.constant 0 : i32
      %dma_wait3A_106 = arith.constant 0 : i32
      %dma_wait3A_107 = tpu.memref_slice %arg3[%add3A_53, %dma_wait3A_105, %dma_wait3A_106] : memref<2560x2x128xi32, #tpu.memory_space<hbm>> -> memref<1x2x128xi32, #tpu.memory_space<hbm>>
      %dma_wait3A_108 = tpu.memref_squeeze %dma_wait3A_107 : memref<1x2x128xi32, #tpu.memory_space<hbm>> -> memref<2x128xi32, #tpu.memory_space<hbm>>
      tpu.wait_dma2 semaphore(%run_scoped3A_77 : memref<!tpu.dma_semaphore, #tpu.memory_space<semaphore_mem>>) src(%dma_wait3A_108 : memref<2x128xi32, #tpu.memory_space<hbm>>) dst(%dma_wait3A_104 : memref<2x128xi32, #tpu.memory_space<vmem>>)
      tpu.yield
    }) : () -> ()
    %dma_start3A_55 = arith.constant 1 : i32
    %dma_start3A_56 = arith.constant 0 : i32
    %dma_start3A_57 = arith.constant 0 : i32
    %dma_start3A_58 = tpu.memref_slice %arg9[%dma_start3A_55, %dma_start3A_56, %dma_start3A_57] : memref<2x2x128xi32, #tpu.memory_space<vmem>> -> memref<1x1x128xi32, #tpu.memory_space<vmem>>
    %dma_start3A_59 = tpu.memref_squeeze %dma_start3A_58 : memref<1x1x128xi32, #tpu.memory_space<vmem>> -> memref<128xi32, #tpu.memory_space<vmem>>
    %dma_start3A_60 = arith.constant 0 : i32
    %dma_start3A_61 = arith.constant 0 : i32
    %dma_start3A_62 = tpu.memref_slice %arg2[%dma_start3A_60, %dma_start3A_61] : memref<10240x128xf32, #tpu.memory_space<hbm>> -> memref<10240x128xf32, #tpu.memory_space<hbm>>
    tpu.enqueue_indirect_dma source(%dma_start3A_62 : memref<10240x128xf32, #tpu.memory_space<hbm>>) target(%arg11 : memref<128x128xf32, #tpu.memory_space<vmem>>) offsets(%dma_start3A_59 : memref<128xi32, #tpu.memory_space<vmem>>) semaphore(%arg13 : memref<!tpu.dma_semaphore, #tpu.memory_space<semaphore_mem>>)
    %scan3A = arith.constant 0 : i32
    %scan3A_63 = arith.constant 0 : i32
    %scan3A_64 = arith.constant 40 : i32
    %scan3A_65 = arith.addi %scan3A_63, %scan3A_64 : i32
    %scan3A_66 = arith.constant 1 : i32
    scf.for %scan3A_77 = %scan3A_63 to %scan3A_65 step %scan3A_66  : i32 {
      %mul3A_78 = arith.constant 2 : i32
      %mul3A_79 = arith.muli %scan3A_77, %mul3A_78 : i32
      %add3A_80 = arith.constant 0 : i32
      %add3A_81 = arith.addi %mul3A_79, %add3A_80 : i32
      %dma_start3A_82 = arith.constant 0 : i32
      %dma_start3A_83 = arith.constant 1 : i32
      %dma_start3A_84 = arith.constant 0 : i32
      %dma_start3A_85 = tpu.memref_slice %arg9[%dma_start3A_82, %dma_start3A_83, %dma_start3A_84] : memref<2x2x128xi32, #tpu.memory_space<vmem>> -> memref<1x1x128xi32, #tpu.memory_space<vmem>>
      %dma_start3A_86 = tpu.memref_squeeze %dma_start3A_85 : memref<1x1x128xi32, #tpu.memory_space<vmem>> -> memref<128xi32, #tpu.memory_space<vmem>>
      %dma_start3A_87 = arith.constant 0 : i32
      %dma_start3A_88 = tpu.memref_slice %arg15[%dma_start3A_87] : memref<10240xf32, #tpu.memory_space<vmem_shared>> -> memref<10240xf32, #tpu.memory_space<vmem_shared>>
      tpu.enqueue_indirect_dma source(%arg16 : memref<128xf32, #tpu.memory_space<vmem>>) target(%dma_start3A_88 : memref<10240xf32, #tpu.memory_space<vmem_shared>>) offsets(%dma_start3A_86 : memref<128xi32, #tpu.memory_space<vmem>>) semaphore(%arg14 : memref<!tpu.dma_semaphore, #tpu.memory_space<semaphore_mem>>) {add = true}
      %dma_wait3A = arith.constant 0 : i32
      %dma_wait3A_89 = arith.constant 0 : i32
      %dma_wait3A_90 = arith.constant 0 : i32
      %dma_wait3A_91 = tpu.memref_slice %arg9[%dma_wait3A, %dma_wait3A_89, %dma_wait3A_90] : memref<2x2x128xi32, #tpu.memory_space<vmem>> -> memref<1x1x128xi32, #tpu.memory_space<vmem>>
      %dma_wait3A_92 = tpu.memref_squeeze %dma_wait3A_91 : memref<1x1x128xi32, #tpu.memory_space<vmem>> -> memref<128xi32, #tpu.memory_space<vmem>>
      %dma_wait3A_93 = arith.constant 0 : i32
      %dma_wait3A_94 = arith.constant 0 : i32
      %dma_wait3A_95 = tpu.memref_slice %arg2[%dma_wait3A_93, %dma_wait3A_94] : memref<10240x128xf32, #tpu.memory_space<hbm>> -> memref<10240x128xf32, #tpu.memory_space<hbm>>
      tpu.wait_indirect_dma semaphore(%arg12 : memref<!tpu.dma_semaphore, #tpu.memory_space<semaphore_mem>>) src(%dma_wait3A_95 : memref<10240x128xf32, #tpu.memory_space<hbm>>) dst(%arg10 : memref<128x128xf32, #tpu.memory_space<vmem>>)
      %run_scoped3A_96 = arith.constant 0 : i32
      %run_scoped3A_97 = arith.constant 1 : i32
      "tpu.region"() ({
        %run_scoped3A_140 = tpu.sem_alloc : memref<!tpu.dma_semaphore, #tpu.memory_space<semaphore_mem>>
        %dma_start3A_141 = arith.constant 0 : i32
        %dma_start3A_142 = tpu.memref_slice %arg9[%run_scoped3A_96, %run_scoped3A_97, %dma_start3A_141] : memref<2x2x128xi32, #tpu.memory_space<vmem>> -> memref<1x1x128xi32, #tpu.memory_space<vmem>>
        %dma_start3A_143 = tpu.memref_squeeze %dma_start3A_142 : memref<1x1x128xi32, #tpu.memory_space<vmem>> -> memref<128xi32, #tpu.memory_space<vmem>>
        %dma_start3A_144 = arith.constant 0 : i32
        %dma_start3A_145 = arith.constant 0 : i32
        %dma_start3A_146 = tpu.memref_slice %arg8[%dma_start3A_144, %dma_start3A_145] : memref<10240x128xf32, #tpu.memory_space<vmem_shared>> -> memref<10240x128xf32, #tpu.memory_space<vmem_shared>>
        tpu.enqueue_indirect_dma source(%arg10 : memref<128x128xf32, #tpu.memory_space<vmem>>) target(%dma_start3A_146 : memref<10240x128xf32, #tpu.memory_space<vmem_shared>>) offsets(%dma_start3A_143 : memref<128xi32, #tpu.memory_space<vmem>>) semaphore(%run_scoped3A_140 : memref<!tpu.dma_semaphore, #tpu.memory_space<semaphore_mem>>) {add = true}
        %dma_wait3A_147 = arith.constant 0 : i32
        %dma_wait3A_148 = tpu.memref_slice %arg9[%run_scoped3A_96, %run_scoped3A_97, %dma_wait3A_147] : memref<2x2x128xi32, #tpu.memory_space<vmem>> -> memref<1x1x128xi32, #tpu.memory_space<vmem>>
        %dma_wait3A_149 = tpu.memref_squeeze %dma_wait3A_148 : memref<1x1x128xi32, #tpu.memory_space<vmem>> -> memref<128xi32, #tpu.memory_space<vmem>>
        %dma_wait3A_150 = arith.constant 0 : i32
        %dma_wait3A_151 = arith.constant 0 : i32
        %dma_wait3A_152 = tpu.memref_slice %arg8[%dma_wait3A_150, %dma_wait3A_151] : memref<10240x128xf32, #tpu.memory_space<vmem_shared>> -> memref<10240x128xf32, #tpu.memory_space<vmem_shared>>
        tpu.wait_indirect_dma semaphore(%run_scoped3A_140 : memref<!tpu.dma_semaphore, #tpu.memory_space<semaphore_mem>>) src(%arg10 : memref<128x128xf32, #tpu.memory_space<vmem>>) dst(%dma_wait3A_152 : memref<10240x128xf32, #tpu.memory_space<vmem_shared>>)
        tpu.yield
      }) : () -> ()
      %dma_wait3A_98 = arith.constant 0 : i32
      %dma_wait3A_99 = arith.constant 1 : i32
      %dma_wait3A_100 = arith.constant 0 : i32
      %dma_wait3A_101 = tpu.memref_slice %arg9[%dma_wait3A_98, %dma_wait3A_99, %dma_wait3A_100] : memref<2x2x128xi32, #tpu.memory_space<vmem>> -> memref<1x1x128xi32, #tpu.memory_space<vmem>>
      %dma_wait3A_102 = tpu.memref_squeeze %dma_wait3A_101 : memref<1x1x128xi32, #tpu.memory_space<vmem>> -> memref<128xi32, #tpu.memory_space<vmem>>
      %dma_wait3A_103 = arith.constant 0 : i32
      %dma_wait3A_104 = tpu.memref_slice %arg15[%dma_wait3A_103] : memref<10240xf32, #tpu.memory_space<vmem_shared>> -> memref<10240xf32, #tpu.memory_space<vmem_shared>>
      tpu.wait_indirect_dma semaphore(%arg14 : memref<!tpu.dma_semaphore, #tpu.memory_space<semaphore_mem>>) src(%arg16 : memref<128xf32, #tpu.memory_space<vmem>>) dst(%dma_wait3A_104 : memref<10240xf32, #tpu.memory_space<vmem_shared>>)
      %lt3A = arith.constant 39 : i32
      %lt3A_105 = arith.cmpi slt, %scan3A_77, %lt3A : i32
      %convert_element_type3A = arith.extui %lt3A_105 : i1 to i32
      %cond3A = arith.constant 0 : i32
      %cond3A_106 = arith.cmpi ne, %convert_element_type3A, %cond3A : i32
      scf.if %cond3A_106 {
        %add3A_140 = arith.addi %mul3A_2, %add3A_81 : i32
        %add3A_141 = arith.constant 2 : i32
        %add3A_142 = arith.addi %add3A_140, %add3A_141 : i32
        %run_scoped3A_143 = arith.constant 0 : i32
        "tpu.region"() ({
          %run_scoped3A_152 = tpu.sem_alloc : memref<!tpu.dma_semaphore, #tpu.memory_space<semaphore_mem>>
          %dma_start3A_153 = arith.constant 0 : i32
          %dma_start3A_154 = arith.constant 0 : i32
          %dma_start3A_155 = tpu.memref_slice %arg9[%run_scoped3A_143, %dma_start3A_153, %dma_start3A_154] : memref<2x2x128xi32, #tpu.memory_space<vmem>> -> memref<1x2x128xi32, #tpu.memory_space<vmem>>
          %dma_start3A_156 = tpu.memref_squeeze %dma_start3A_155 : memref<1x2x128xi32, #tpu.memory_space<vmem>> -> memref<2x128xi32, #tpu.memory_space<vmem>>
          %dma_start3A_157 = arith.constant 0 : i32
          %dma_start3A_158 = arith.constant 0 : i32
          %dma_start3A_159 = tpu.memref_slice %arg3[%add3A_142, %dma_start3A_157, %dma_start3A_158] : memref<2560x2x128xi32, #tpu.memory_space<hbm>> -> memref<1x2x128xi32, #tpu.memory_space<hbm>>
          %dma_start3A_160 = tpu.memref_squeeze %dma_start3A_159 : memref<1x2x128xi32, #tpu.memory_space<hbm>> -> memref<2x128xi32, #tpu.memory_space<hbm>>
          %dma_start3A_161 = arith.constant 0 : i32
          %dma_start3A_162 = arith.constant 0 : i32
          %dma_start3A_163 = tpu.memref_slice %arg9[%run_scoped3A_143, %dma_start3A_161, %dma_start3A_162] : memref<2x2x128xi32, #tpu.memory_space<vmem>> -> memref<1x2x128xi32, #tpu.memory_space<vmem>>
          %dma_start3A_164 = tpu.memref_squeeze %dma_start3A_163 : memref<1x2x128xi32, #tpu.memory_space<vmem>> -> memref<2x128xi32, #tpu.memory_space<vmem>>
          %dma_start3A_165 = arith.constant 0 : i32
          %dma_start3A_166 = arith.constant 0 : i32
          %dma_start3A_167 = tpu.memref_slice %arg3[%add3A_142, %dma_start3A_165, %dma_start3A_166] : memref<2560x2x128xi32, #tpu.memory_space<hbm>> -> memref<1x2x128xi32, #tpu.memory_space<hbm>>
          %dma_start3A_168 = tpu.memref_squeeze %dma_start3A_167 : memref<1x2x128xi32, #tpu.memory_space<hbm>> -> memref<2x128xi32, #tpu.memory_space<hbm>>
          tpu.enqueue_dma source(%dma_start3A_168 : memref<2x128xi32, #tpu.memory_space<hbm>>) target(%dma_start3A_164 : memref<2x128xi32, #tpu.memory_space<vmem>>) target_semaphore(%run_scoped3A_152 : memref<!tpu.dma_semaphore, #tpu.memory_space<semaphore_mem>>)
          %dma_wait3A_169 = arith.constant 0 : i32
          %dma_wait3A_170 = arith.constant 0 : i32
          %dma_wait3A_171 = tpu.memref_slice %arg9[%run_scoped3A_143, %dma_wait3A_169, %dma_wait3A_170] : memref<2x2x128xi32, #tpu.memory_space<vmem>> -> memref<1x2x128xi32, #tpu.memory_space<vmem>>
          %dma_wait3A_172 = tpu.memref_squeeze %dma_wait3A_171 : memref<1x2x128xi32, #tpu.memory_space<vmem>> -> memref<2x128xi32, #tpu.memory_space<vmem>>
          %dma_wait3A_173 = arith.constant 0 : i32
          %dma_wait3A_174 = arith.constant 0 : i32
          %dma_wait3A_175 = tpu.memref_slice %arg3[%add3A_142, %dma_wait3A_173, %dma_wait3A_174] : memref<2560x2x128xi32, #tpu.memory_space<hbm>> -> memref<1x2x128xi32, #tpu.memory_space<hbm>>
          %dma_wait3A_176 = tpu.memref_squeeze %dma_wait3A_175 : memref<1x2x128xi32, #tpu.memory_space<hbm>> -> memref<2x128xi32, #tpu.memory_space<hbm>>
          %dma_wait3A_177 = arith.constant 0 : i32
          %dma_wait3A_178 = arith.constant 0 : i32
          %dma_wait3A_179 = tpu.memref_slice %arg9[%run_scoped3A_143, %dma_wait3A_177, %dma_wait3A_178] : memref<2x2x128xi32, #tpu.memory_space<vmem>> -> memref<1x2x128xi32, #tpu.memory_space<vmem>>
          %dma_wait3A_180 = tpu.memref_squeeze %dma_wait3A_179 : memref<1x2x128xi32, #tpu.memory_space<vmem>> -> memref<2x128xi32, #tpu.memory_space<vmem>>
          %dma_wait3A_181 = arith.constant 0 : i32
          %dma_wait3A_182 = arith.constant 0 : i32
          %dma_wait3A_183 = tpu.memref_slice %arg3[%add3A_142, %dma_wait3A_181, %dma_wait3A_182] : memref<2560x2x128xi32, #tpu.memory_space<hbm>> -> memref<1x2x128xi32, #tpu.memory_space<hbm>>
          %dma_wait3A_184 = tpu.memref_squeeze %dma_wait3A_183 : memref<1x2x128xi32, #tpu.memory_space<hbm>> -> memref<2x128xi32, #tpu.memory_space<hbm>>
          tpu.wait_dma2 semaphore(%run_scoped3A_152 : memref<!tpu.dma_semaphore, #tpu.memory_space<semaphore_mem>>) src(%dma_wait3A_184 : memref<2x128xi32, #tpu.memory_space<hbm>>) dst(%dma_wait3A_180 : memref<2x128xi32, #tpu.memory_space<vmem>>)
          tpu.yield
        }) : () -> ()
        %dma_start3A_144 = arith.constant 0 : i32
        %dma_start3A_145 = arith.constant 0 : i32
        %dma_start3A_146 = arith.constant 0 : i32
        %dma_start3A_147 = tpu.memref_slice %arg9[%dma_start3A_144, %dma_start3A_145, %dma_start3A_146] : memref<2x2x128xi32, #tpu.memory_space<vmem>> -> memref<1x1x128xi32, #tpu.memory_space<vmem>>
        %dma_start3A_148 = tpu.memref_squeeze %dma_start3A_147 : memref<1x1x128xi32, #tpu.memory_space<vmem>> -> memref<128xi32, #tpu.memory_space<vmem>>
        %dma_start3A_149 = arith.constant 0 : i32
        %dma_start3A_150 = arith.constant 0 : i32
        %dma_start3A_151 = tpu.memref_slice %arg2[%dma_start3A_149, %dma_start3A_150] : memref<10240x128xf32, #tpu.memory_space<hbm>> -> memref<10240x128xf32, #tpu.memory_space<hbm>>
        tpu.enqueue_indirect_dma source(%dma_start3A_151 : memref<10240x128xf32, #tpu.memory_space<hbm>>) target(%arg10 : memref<128x128xf32, #tpu.memory_space<vmem>>) offsets(%dma_start3A_148 : memref<128xi32, #tpu.memory_space<vmem>>) semaphore(%arg12 : memref<!tpu.dma_semaphore, #tpu.memory_space<semaphore_mem>>)
      } else {
      }
      %mul3A_107 = arith.constant 2 : i32
      %mul3A_108 = arith.muli %scan3A_77, %mul3A_107 : i32
      %add3A_109 = arith.constant 1 : i32
      %add3A_110 = arith.addi %mul3A_108, %add3A_109 : i32
      %dma_start3A_111 = arith.constant 1 : i32
      %dma_start3A_112 = arith.constant 1 : i32
      %dma_start3A_113 = arith.constant 0 : i32
      %dma_start3A_114 = tpu.memref_slice %arg9[%dma_start3A_111, %dma_start3A_112, %dma_start3A_113] : memref<2x2x128xi32, #tpu.memory_space<vmem>> -> memref<1x1x128xi32, #tpu.memory_space<vmem>>
      %dma_start3A_115 = tpu.memref_squeeze %dma_start3A_114 : memref<1x1x128xi32, #tpu.memory_space<vmem>> -> memref<128xi32, #tpu.memory_space<vmem>>
      %dma_start3A_116 = arith.constant 0 : i32
      %dma_start3A_117 = tpu.memref_slice %arg15[%dma_start3A_116] : memref<10240xf32, #tpu.memory_space<vmem_shared>> -> memref<10240xf32, #tpu.memory_space<vmem_shared>>
      tpu.enqueue_indirect_dma source(%arg16 : memref<128xf32, #tpu.memory_space<vmem>>) target(%dma_start3A_117 : memref<10240xf32, #tpu.memory_space<vmem_shared>>) offsets(%dma_start3A_115 : memref<128xi32, #tpu.memory_space<vmem>>) semaphore(%arg14 : memref<!tpu.dma_semaphore, #tpu.memory_space<semaphore_mem>>) {add = true}
      %dma_wait3A_118 = arith.constant 1 : i32
      %dma_wait3A_119 = arith.constant 0 : i32
      %dma_wait3A_120 = arith.constant 0 : i32
      %dma_wait3A_121 = tpu.memref_slice %arg9[%dma_wait3A_118, %dma_wait3A_119, %dma_wait3A_120] : memref<2x2x128xi32, #tpu.memory_space<vmem>> -> memref<1x1x128xi32, #tpu.memory_space<vmem>>
      %dma_wait3A_122 = tpu.memref_squeeze %dma_wait3A_121 : memref<1x1x128xi32, #tpu.memory_space<vmem>> -> memref<128xi32, #tpu.memory_space<vmem>>
      %dma_wait3A_123 = arith.constant 0 : i32
      %dma_wait3A_124 = arith.constant 0 : i32
      %dma_wait3A_125 = tpu.memref_slice %arg2[%dma_wait3A_123, %dma_wait3A_124] : memref<10240x128xf32, #tpu.memory_space<hbm>> -> memref<10240x128xf32, #tpu.memory_space<hbm>>
      tpu.wait_indirect_dma semaphore(%arg13 : memref<!tpu.dma_semaphore, #tpu.memory_space<semaphore_mem>>) src(%dma_wait3A_125 : memref<10240x128xf32, #tpu.memory_space<hbm>>) dst(%arg11 : memref<128x128xf32, #tpu.memory_space<vmem>>)
      %run_scoped3A_126 = arith.constant 1 : i32
      %run_scoped3A_127 = arith.constant 1 : i32
      "tpu.region"() ({
        %run_scoped3A_140 = tpu.sem_alloc : memref<!tpu.dma_semaphore, #tpu.memory_space<semaphore_mem>>
        %dma_start3A_141 = arith.constant 0 : i32
        %dma_start3A_142 = tpu.memref_slice %arg9[%run_scoped3A_126, %run_scoped3A_127, %dma_start3A_141] : memref<2x2x128xi32, #tpu.memory_space<vmem>> -> memref<1x1x128xi32, #tpu.memory_space<vmem>>
        %dma_start3A_143 = tpu.memref_squeeze %dma_start3A_142 : memref<1x1x128xi32, #tpu.memory_space<vmem>> -> memref<128xi32, #tpu.memory_space<vmem>>
        %dma_start3A_144 = arith.constant 0 : i32
        %dma_start3A_145 = arith.constant 0 : i32
        %dma_start3A_146 = tpu.memref_slice %arg8[%dma_start3A_144, %dma_start3A_145] : memref<10240x128xf32, #tpu.memory_space<vmem_shared>> -> memref<10240x128xf32, #tpu.memory_space<vmem_shared>>
        tpu.enqueue_indirect_dma source(%arg11 : memref<128x128xf32, #tpu.memory_space<vmem>>) target(%dma_start3A_146 : memref<10240x128xf32, #tpu.memory_space<vmem_shared>>) offsets(%dma_start3A_143 : memref<128xi32, #tpu.memory_space<vmem>>) semaphore(%run_scoped3A_140 : memref<!tpu.dma_semaphore, #tpu.memory_space<semaphore_mem>>) {add = true}
        %dma_wait3A_147 = arith.constant 0 : i32
        %dma_wait3A_148 = tpu.memref_slice %arg9[%run_scoped3A_126, %run_scoped3A_127, %dma_wait3A_147] : memref<2x2x128xi32, #tpu.memory_space<vmem>> -> memref<1x1x128xi32, #tpu.memory_space<vmem>>
        %dma_wait3A_149 = tpu.memref_squeeze %dma_wait3A_148 : memref<1x1x128xi32, #tpu.memory_space<vmem>> -> memref<128xi32, #tpu.memory_space<vmem>>
        %dma_wait3A_150 = arith.constant 0 : i32
        %dma_wait3A_151 = arith.constant 0 : i32
        %dma_wait3A_152 = tpu.memref_slice %arg8[%dma_wait3A_150, %dma_wait3A_151] : memref<10240x128xf32, #tpu.memory_space<vmem_shared>> -> memref<10240x128xf32, #tpu.memory_space<vmem_shared>>
        tpu.wait_indirect_dma semaphore(%run_scoped3A_140 : memref<!tpu.dma_semaphore, #tpu.memory_space<semaphore_mem>>) src(%arg11 : memref<128x128xf32, #tpu.memory_space<vmem>>) dst(%dma_wait3A_152 : memref<10240x128xf32, #tpu.memory_space<vmem_shared>>)
        tpu.yield
      }) : () -> ()
      %dma_wait3A_128 = arith.constant 1 : i32
      %dma_wait3A_129 = arith.constant 1 : i32
      %dma_wait3A_130 = arith.constant 0 : i32
      %dma_wait3A_131 = tpu.memref_slice %arg9[%dma_wait3A_128, %dma_wait3A_129, %dma_wait3A_130] : memref<2x2x128xi32, #tpu.memory_space<vmem>> -> memref<1x1x128xi32, #tpu.memory_space<vmem>>
      %dma_wait3A_132 = tpu.memref_squeeze %dma_wait3A_131 : memref<1x1x128xi32, #tpu.memory_space<vmem>> -> memref<128xi32, #tpu.memory_space<vmem>>
      %dma_wait3A_133 = arith.constant 0 : i32
      %dma_wait3A_134 = tpu.memref_slice %arg15[%dma_wait3A_133] : memref<10240xf32, #tpu.memory_space<vmem_shared>> -> memref<10240xf32, #tpu.memory_space<vmem_shared>>
      tpu.wait_indirect_dma semaphore(%arg14 : memref<!tpu.dma_semaphore, #tpu.memory_space<semaphore_mem>>) src(%arg16 : memref<128xf32, #tpu.memory_space<vmem>>) dst(%dma_wait3A_134 : memref<10240xf32, #tpu.memory_space<vmem_shared>>)
      %lt3A_135 = arith.constant 39 : i32
      %lt3A_136 = arith.cmpi slt, %scan3A_77, %lt3A_135 : i32
      %convert_element_type3A_137 = arith.extui %lt3A_136 : i1 to i32
      %cond3A_138 = arith.constant 0 : i32
      %cond3A_139 = arith.cmpi ne, %convert_element_type3A_137, %cond3A_138 : i32
      scf.if %cond3A_139 {
        %add3A_140 = arith.addi %mul3A_2, %add3A_110 : i32
        %add3A_141 = arith.constant 2 : i32
        %add3A_142 = arith.addi %add3A_140, %add3A_141 : i32
        %run_scoped3A_143 = arith.constant 1 : i32
        "tpu.region"() ({
          %run_scoped3A_152 = tpu.sem_alloc : memref<!tpu.dma_semaphore, #tpu.memory_space<semaphore_mem>>
          %dma_start3A_153 = arith.constant 0 : i32
          %dma_start3A_154 = arith.constant 0 : i32
          %dma_start3A_155 = tpu.memref_slice %arg9[%run_scoped3A_143, %dma_start3A_153, %dma_start3A_154] : memref<2x2x128xi32, #tpu.memory_space<vmem>> -> memref<1x2x128xi32, #tpu.memory_space<vmem>>
          %dma_start3A_156 = tpu.memref_squeeze %dma_start3A_155 : memref<1x2x128xi32, #tpu.memory_space<vmem>> -> memref<2x128xi32, #tpu.memory_space<vmem>>
          %dma_start3A_157 = arith.constant 0 : i32
          %dma_start3A_158 = arith.constant 0 : i32
          %dma_start3A_159 = tpu.memref_slice %arg3[%add3A_142, %dma_start3A_157, %dma_start3A_158] : memref<2560x2x128xi32, #tpu.memory_space<hbm>> -> memref<1x2x128xi32, #tpu.memory_space<hbm>>
          %dma_start3A_160 = tpu.memref_squeeze %dma_start3A_159 : memref<1x2x128xi32, #tpu.memory_space<hbm>> -> memref<2x128xi32, #tpu.memory_space<hbm>>
          %dma_start3A_161 = arith.constant 0 : i32
          %dma_start3A_162 = arith.constant 0 : i32
          %dma_start3A_163 = tpu.memref_slice %arg9[%run_scoped3A_143, %dma_start3A_161, %dma_start3A_162] : memref<2x2x128xi32, #tpu.memory_space<vmem>> -> memref<1x2x128xi32, #tpu.memory_space<vmem>>
          %dma_start3A_164 = tpu.memref_squeeze %dma_start3A_163 : memref<1x2x128xi32, #tpu.memory_space<vmem>> -> memref<2x128xi32, #tpu.memory_space<vmem>>
          %dma_start3A_165 = arith.constant 0 : i32
          %dma_start3A_166 = arith.constant 0 : i32
          %dma_start3A_167 = tpu.memref_slice %arg3[%add3A_142, %dma_start3A_165, %dma_start3A_166] : memref<2560x2x128xi32, #tpu.memory_space<hbm>> -> memref<1x2x128xi32, #tpu.memory_space<hbm>>
          %dma_start3A_168 = tpu.memref_squeeze %dma_start3A_167 : memref<1x2x128xi32, #tpu.memory_space<hbm>> -> memref<2x128xi32, #tpu.memory_space<hbm>>
          tpu.enqueue_dma source(%dma_start3A_168 : memref<2x128xi32, #tpu.memory_space<hbm>>) target(%dma_start3A_164 : memref<2x128xi32, #tpu.memory_space<vmem>>) target_semaphore(%run_scoped3A_152 : memref<!tpu.dma_semaphore, #tpu.memory_space<semaphore_mem>>)
          %dma_wait3A_169 = arith.constant 0 : i32
          %dma_wait3A_170 = arith.constant 0 : i32
          %dma_wait3A_171 = tpu.memref_slice %arg9[%run_scoped3A_143, %dma_wait3A_169, %dma_wait3A_170] : memref<2x2x128xi32, #tpu.memory_space<vmem>> -> memref<1x2x128xi32, #tpu.memory_space<vmem>>
          %dma_wait3A_172 = tpu.memref_squeeze %dma_wait3A_171 : memref<1x2x128xi32, #tpu.memory_space<vmem>> -> memref<2x128xi32, #tpu.memory_space<vmem>>
          %dma_wait3A_173 = arith.constant 0 : i32
          %dma_wait3A_174 = arith.constant 0 : i32
          %dma_wait3A_175 = tpu.memref_slice %arg3[%add3A_142, %dma_wait3A_173, %dma_wait3A_174] : memref<2560x2x128xi32, #tpu.memory_space<hbm>> -> memref<1x2x128xi32, #tpu.memory_space<hbm>>
          %dma_wait3A_176 = tpu.memref_squeeze %dma_wait3A_175 : memref<1x2x128xi32, #tpu.memory_space<hbm>> -> memref<2x128xi32, #tpu.memory_space<hbm>>
          %dma_wait3A_177 = arith.constant 0 : i32
          %dma_wait3A_178 = arith.constant 0 : i32
          %dma_wait3A_179 = tpu.memref_slice %arg9[%run_scoped3A_143, %dma_wait3A_177, %dma_wait3A_178] : memref<2x2x128xi32, #tpu.memory_space<vmem>> -> memref<1x2x128xi32, #tpu.memory_space<vmem>>
          %dma_wait3A_180 = tpu.memref_squeeze %dma_wait3A_179 : memref<1x2x128xi32, #tpu.memory_space<vmem>> -> memref<2x128xi32, #tpu.memory_space<vmem>>
          %dma_wait3A_181 = arith.constant 0 : i32
          %dma_wait3A_182 = arith.constant 0 : i32
          %dma_wait3A_183 = tpu.memref_slice %arg3[%add3A_142, %dma_wait3A_181, %dma_wait3A_182] : memref<2560x2x128xi32, #tpu.memory_space<hbm>> -> memref<1x2x128xi32, #tpu.memory_space<hbm>>
          %dma_wait3A_184 = tpu.memref_squeeze %dma_wait3A_183 : memref<1x2x128xi32, #tpu.memory_space<hbm>> -> memref<2x128xi32, #tpu.memory_space<hbm>>
          tpu.wait_dma2 semaphore(%run_scoped3A_152 : memref<!tpu.dma_semaphore, #tpu.memory_space<semaphore_mem>>) src(%dma_wait3A_184 : memref<2x128xi32, #tpu.memory_space<hbm>>) dst(%dma_wait3A_180 : memref<2x128xi32, #tpu.memory_space<vmem>>)
          tpu.yield
        }) : () -> ()
        %dma_start3A_144 = arith.constant 1 : i32
        %dma_start3A_145 = arith.constant 0 : i32
        %dma_start3A_146 = arith.constant 0 : i32
        %dma_start3A_147 = tpu.memref_slice %arg9[%dma_start3A_144, %dma_start3A_145, %dma_start3A_146] : memref<2x2x128xi32, #tpu.memory_space<vmem>> -> memref<1x1x128xi32, #tpu.memory_space<vmem>>
        %dma_start3A_148 = tpu.memref_squeeze %dma_start3A_147 : memref<1x1x128xi32, #tpu.memory_space<vmem>> -> memref<128xi32, #tpu.memory_space<vmem>>
        %dma_start3A_149 = arith.constant 0 : i32
        %dma_start3A_150 = arith.constant 0 : i32
        %dma_start3A_151 = tpu.memref_slice %arg2[%dma_start3A_149, %dma_start3A_150] : memref<10240x128xf32, #tpu.memory_space<hbm>> -> memref<10240x128xf32, #tpu.memory_space<hbm>>
        tpu.enqueue_indirect_dma source(%dma_start3A_151 : memref<10240x128xf32, #tpu.memory_space<hbm>>) target(%arg11 : memref<128x128xf32, #tpu.memory_space<vmem>>) offsets(%dma_start3A_148 : memref<128xi32, #tpu.memory_space<vmem>>) semaphore(%arg13 : memref<!tpu.dma_semaphore, #tpu.memory_space<semaphore_mem>>)
      } else {
      }
    }
    %scan3A_67 = arith.constant 40 : i32
    %barrier3A_68 = arith.constant 0 : index
    tpu.barrier barrier_id(%barrier3A_68)
    %mul3A_69 = arith.constant 640 : i32
    %mul3A_70 = arith.muli %arg1, %mul3A_69 : i32
    %mul3A_71 = arith.constant 640 : i32
    %mul3A_72 = arith.muli %arg1, %mul3A_71 : i32
    "tpu.region"() ({
      %run_scoped3A_77 = tpu.sem_alloc : memref<!tpu.dma_semaphore, #tpu.memory_space<semaphore_mem>>
      %dma_start3A_78 = arith.constant 0 : i32
      %dma_start3A_79 = tpu.memref_slice %arg6[%arg0, %mul3A_72, %dma_start3A_78] : memref<2x10240x128xf32, #tpu.memory_space<hbm>> -> memref<1x640x128xf32, #tpu.memory_space<hbm>>
      %dma_start3A_80 = tpu.memref_squeeze %dma_start3A_79 : memref<1x640x128xf32, #tpu.memory_space<hbm>> -> memref<640x128xf32, #tpu.memory_space<hbm>>
      %dma_start3A_81 = arith.constant 0 : i32
      %dma_start3A_82 = tpu.memref_slice %arg8[%mul3A_70, %dma_start3A_81] : memref<10240x128xf32, #tpu.memory_space<vmem_shared>> -> memref<640x128xf32, #tpu.memory_space<vmem_shared>>
      tpu.enqueue_dma source(%dma_start3A_82 : memref<640x128xf32, #tpu.memory_space<vmem_shared>>) target(%dma_start3A_80 : memref<640x128xf32, #tpu.memory_space<hbm>>) target_semaphore(%run_scoped3A_77 : memref<!tpu.dma_semaphore, #tpu.memory_space<semaphore_mem>>)
      %dma_wait3A = arith.constant 0 : i32
      %dma_wait3A_83 = tpu.memref_slice %arg6[%arg0, %mul3A_72, %dma_wait3A] : memref<2x10240x128xf32, #tpu.memory_space<hbm>> -> memref<1x640x128xf32, #tpu.memory_space<hbm>>
      %dma_wait3A_84 = tpu.memref_squeeze %dma_wait3A_83 : memref<1x640x128xf32, #tpu.memory_space<hbm>> -> memref<640x128xf32, #tpu.memory_space<hbm>>
      %dma_wait3A_85 = arith.constant 0 : i32
      %dma_wait3A_86 = tpu.memref_slice %arg8[%mul3A_70, %dma_wait3A_85] : memref<10240x128xf32, #tpu.memory_space<vmem_shared>> -> memref<640x128xf32, #tpu.memory_space<vmem_shared>>
      tpu.wait_dma2 semaphore(%run_scoped3A_77 : memref<!tpu.dma_semaphore, #tpu.memory_space<semaphore_mem>>) src(%dma_wait3A_86 : memref<640x128xf32, #tpu.memory_space<vmem_shared>>) dst(%dma_wait3A_84 : memref<640x128xf32, #tpu.memory_space<hbm>>)
      tpu.yield
    }) : () -> ()
    %mul3A_73 = arith.constant 640 : i32
    %mul3A_74 = arith.muli %arg1, %mul3A_73 : i32
    %mul3A_75 = arith.constant 640 : i32
    %mul3A_76 = arith.muli %arg1, %mul3A_75 : i32
    "tpu.region"() ({
      %run_scoped3A_77 = tpu.sem_alloc : memref<!tpu.dma_semaphore, #tpu.memory_space<semaphore_mem>>
      %dma_start3A_78 = tpu.memref_slice %arg7[%arg0, %mul3A_76] : memref<2x10240xf32, #tpu.memory_space<hbm>> -> memref<1x640xf32, #tpu.memory_space<hbm>>
      %dma_start3A_79 = tpu.memref_squeeze %dma_start3A_78 : memref<1x640xf32, #tpu.memory_space<hbm>> -> memref<640xf32, #tpu.memory_space<hbm>>
      %dma_start3A_80 = tpu.memref_slice %arg15[%mul3A_74] : memref<10240xf32, #tpu.memory_space<vmem_shared>> -> memref<640xf32, #tpu.memory_space<vmem_shared>>
      tpu.enqueue_dma source(%dma_start3A_80 : memref<640xf32, #tpu.memory_space<vmem_shared>>) target(%dma_start3A_79 : memref<640xf32, #tpu.memory_space<hbm>>) target_semaphore(%run_scoped3A_77 : memref<!tpu.dma_semaphore, #tpu.memory_space<semaphore_mem>>)
      %dma_wait3A = tpu.memref_slice %arg7[%arg0, %mul3A_76] : memref<2x10240xf32, #tpu.memory_space<hbm>> -> memref<1x640xf32, #tpu.memory_space<hbm>>
      %dma_wait3A_81 = tpu.memref_squeeze %dma_wait3A : memref<1x640xf32, #tpu.memory_space<hbm>> -> memref<640xf32, #tpu.memory_space<hbm>>
      %dma_wait3A_82 = tpu.memref_slice %arg15[%mul3A_74] : memref<10240xf32, #tpu.memory_space<vmem_shared>> -> memref<640xf32, #tpu.memory_space<vmem_shared>>
      tpu.wait_dma2 semaphore(%run_scoped3A_77 : memref<!tpu.dma_semaphore, #tpu.memory_space<semaphore_mem>>) src(%dma_wait3A_82 : memref<640xf32, #tpu.memory_space<vmem_shared>>) dst(%dma_wait3A_81 : memref<640xf32, #tpu.memory_space<hbm>>)
      tpu.yield
    }) : () -> ()
    return
  }
}

module attributes {stable_mosaic.version = 14 : i64} {
  func.func @_xr_body(%arg0: i32, %arg1: memref<1024x128xf32, #tpu.memory_space<vmem>>, %arg2: memref<128x256xf32, #tpu.memory_space<vmem>>, %arg3: memref<1x256xf32, #tpu.memory_space<vmem>>, %arg4: memref<1024x256xf32, #tpu.memory_space<vmem>>) attributes {dimension_semantics = [#tpu.dimension_semantics<arbitrary>], iteration_bounds = array<i64: 10>, scalar_prefetch = 0 : i64, scratch_operands = 0 : i64, tpu.core_type = #tpu.core_type<tc>, window_params = [{transform_indices = @transform_0, window_bounds = array<i64: 1024, 128>}, {pipeline_mode = #tpu.pipeline_mode<synchronous>, transform_indices = @transform_1, window_bounds = array<i64: 128, 256>}, {pipeline_mode = #tpu.pipeline_mode<synchronous>, transform_indices = @transform_2, window_bounds = array<i64: 1, 256>}, {transform_indices = @transform_3, window_bounds = array<i64: 1024, 256>}]} {
    %get3A = arith.constant 0 : index
    %get3A_0 = arith.constant 0 : index
    %get3A_1 = vector.load %arg1[%get3A, %get3A_0] : memref<1024x128xf32, #tpu.memory_space<vmem>>, vector<1024x128xf32>
    %get3A_2 = arith.constant 0 : index
    %get3A_3 = arith.constant 0 : index
    %get3A_4 = vector.load %arg2[%get3A_2, %get3A_3] : memref<128x256xf32, #tpu.memory_space<vmem>>, vector<128x256xf32>
    %dot_general3A = arith.constant dense<0.000000e+00> : vector<1024x256xf32>
    %dot_general3A_5 = tpu.matmul %get3A_1, %get3A_4, %dot_general3A {dimension_numbers = #tpu.dot_dimension_numbers<[1], [0], [0], [1], [0, 0, 1, 1], [], []>, transpose_lhs_hint = false} : vector<1024x128xf32>, vector<128x256xf32>, vector<1024x256xf32> -> vector<1024x256xf32>
    %get3A_6 = arith.constant 0 : index
    %get3A_7 = arith.constant 0 : index
    %get3A_8 = vector.load %arg3[%get3A_6, %get3A_7] : memref<1x256xf32, #tpu.memory_space<vmem>>, vector<1x256xf32>
    %add3A = vector.broadcast %get3A_8 : vector<1x256xf32> to vector<1024x256xf32>
    %add3A_9 = arith.addf %dot_general3A_5, %add3A : vector<1024x256xf32>
    %swap3A = arith.constant 0 : index
    %swap3A_10 = arith.constant 0 : index
    %swap3A_11 = vector.load %arg4[%swap3A, %swap3A_10] : memref<1024x256xf32, #tpu.memory_space<vmem>>, vector<1024x256xf32>
    tpu.vector_store %arg4[%swap3A, %swap3A_10], %add3A_9 {strides = array<i32>} : memref<1024x256xf32, #tpu.memory_space<vmem>>, vector<1024x256xf32>,
    return
  }
  func.func @transform_0(%arg0: i32) -> (i32, i32) {
    %c0_i32 = arith.constant 0 : i32
    %c0_i32_0 = arith.constant 0 : i32
    return %arg0, %c0_i32 : i32, i32
  }
  func.func @transform_1(%arg0: i32) -> (i32, i32) {
    %c0_i32 = arith.constant 0 : i32
    %c0_i32_0 = arith.constant 0 : i32
    %c0_i32_1 = arith.constant 0 : i32
    return %c0_i32, %c0_i32_0 : i32, i32
  }
  func.func @transform_2(%arg0: i32) -> (i32, i32) {
    %c0_i32 = arith.constant 0 : i32
    %c0_i32_0 = arith.constant 0 : i32
    %c0_i32_1 = arith.constant 0 : i32
    return %c0_i32, %c0_i32_0 : i32, i32
  }
  func.func @transform_3(%arg0: i32) -> (i32, i32) {
    %c0_i32 = arith.constant 0 : i32
    %c0_i32_0 = arith.constant 0 : i32
    return %arg0, %c0_i32 : i32, i32
  }
}

module attributes {stable_mosaic.version = 14 : i64} {
  func.func @_layer1_body(%arg0: i32, %arg1: memref<2x1024x128xf32, #tpu.memory_space<vmem>>, %arg2: memref<2x1024xf32, #tpu.memory_space<vmem>>, %arg3: memref<1024x256xf32, #tpu.memory_space<vmem>>, %arg4: memref<128x256xf32, #tpu.memory_space<vmem>>, %arg5: memref<256x128xf32, #tpu.memory_space<vmem>>, %arg6: memref<256x128xf32, #tpu.memory_space<vmem>>, %arg7: memref<1x128xf32, #tpu.memory_space<vmem>>, %arg8: memref<1024x128xf32, #tpu.memory_space<vmem>>, %arg9: memref<1024x128xf32, #tpu.memory_space<vmem>>) attributes {dimension_semantics = [#tpu.dimension_semantics<arbitrary>], iteration_bounds = array<i64: 10>, scalar_prefetch = 0 : i64, scratch_operands = 0 : i64, tpu.core_type = #tpu.core_type<tc>, window_params = [{transform_indices = @transform_0, window_bounds = array<i64: 2, 1024, 128>}, {transform_indices = @transform_1, window_bounds = array<i64: 2, 1024>}, {transform_indices = @transform_2, window_bounds = array<i64: 1024, 256>}, {pipeline_mode = #tpu.pipeline_mode<synchronous>, transform_indices = @transform_3, window_bounds = array<i64: 128, 256>}, {pipeline_mode = #tpu.pipeline_mode<synchronous>, transform_indices = @transform_4, window_bounds = array<i64: 256, 128>}, {pipeline_mode = #tpu.pipeline_mode<synchronous>, transform_indices = @transform_5, window_bounds = array<i64: 256, 128>}, {pipeline_mode = #tpu.pipeline_mode<synchronous>, transform_indices = @transform_6, window_bounds = array<i64: 1, 128>}, {transform_indices = @transform_7, window_bounds = array<i64: 1024, 128>}, {transform_indices = @transform_8, window_bounds = array<i64: 1024, 128>}]} {
    %get3A = arith.constant 0 : index
    %get3A_0 = arith.constant 0 : index
    %get3A_1 = vector.load %arg2[%get3A, %get3A_0] : memref<2x1024xf32, #tpu.memory_space<vmem>>, vector<2x1024xf32>
    %reduce_sum3A = arith.constant dense<0.000000e+00> : vector<1024xf32>
    %reduce_sum3A_2 = vector.multi_reduction <add>, %get3A_1, %reduce_sum3A [0] : vector<2x1024xf32> to vector<1024xf32>
    %max3A = arith.constant 1.000000e+00 : f32
    %max3A_3 = vector.broadcast %max3A : f32 to vector<1024xf32>
    %max3A_4 = arith.maximumf %reduce_sum3A_2, %max3A_3 : vector<1024xf32>
    %get3A_5 = arith.constant 0 : index
    %get3A_6 = arith.constant 0 : index
    %get3A_7 = arith.constant 0 : index
    %get3A_8 = vector.load %arg1[%get3A_5, %get3A_6, %get3A_7] : memref<2x1024x128xf32, #tpu.memory_space<vmem>>, vector<1x1024x128xf32>
    %get3A_9 = vector.shape_cast %get3A_8 : vector<1x1024x128xf32> to vector<1024x128xf32>
    %get3A_10 = arith.constant 1 : index
    %get3A_11 = arith.constant 0 : index
    %get3A_12 = arith.constant 0 : index
    %get3A_13 = vector.load %arg1[%get3A_10, %get3A_11, %get3A_12] : memref<2x1024x128xf32, #tpu.memory_space<vmem>>, vector<1x1024x128xf32>
    %get3A_14 = vector.shape_cast %get3A_13 : vector<1x1024x128xf32> to vector<1024x128xf32>
    %add3A = arith.addf %get3A_9, %get3A_14 : vector<1024x128xf32>
    %broadcast_in_dim3A = vector.shape_cast %max3A_4 : vector<1024xf32> to vector<1024x1xf32>
    %div3A = vector.broadcast %broadcast_in_dim3A : vector<1024x1xf32> to vector<1024x128xf32>
    %div3A_15 = arith.divf %add3A, %div3A : vector<1024x128xf32>
    %get3A_16 = arith.constant 0 : index
    %get3A_17 = arith.constant 0 : index
    %get3A_18 = vector.load %arg4[%get3A_16, %get3A_17] : memref<128x256xf32, #tpu.memory_space<vmem>>, vector<128x256xf32>
    %dot_general3A = arith.constant dense<0.000000e+00> : vector<1024x256xf32>
    %dot_general3A_19 = tpu.matmul %div3A_15, %get3A_18, %dot_general3A {dimension_numbers = #tpu.dot_dimension_numbers<[1], [0], [0], [1], [0, 0, 1, 1], [], []>, transpose_lhs_hint = false} : vector<1024x128xf32>, vector<128x256xf32>, vector<1024x256xf32> -> vector<1024x256xf32>
    %get3A_20 = arith.constant 0 : index
    %get3A_21 = arith.constant 0 : index
    %get3A_22 = vector.load %arg3[%get3A_20, %get3A_21] : memref<1024x256xf32, #tpu.memory_space<vmem>>, vector<1024x256xf32>
    %add3A_23 = arith.addf %dot_general3A_19, %get3A_22 : vector<1024x256xf32>
    %tanh3A = math.tanh %add3A_23 : vector<1024x256xf32>
    %get3A_24 = arith.constant 0 : index
    %get3A_25 = arith.constant 0 : index
    %get3A_26 = vector.load %arg5[%get3A_24, %get3A_25] : memref<256x128xf32, #tpu.memory_space<vmem>>, vector<256x128xf32>
    %dot_general3A_27 = arith.constant dense<0.000000e+00> : vector<1024x128xf32>
    %dot_general3A_28 = tpu.matmul %tanh3A, %get3A_26, %dot_general3A_27 {dimension_numbers = #tpu.dot_dimension_numbers<[1], [0], [0], [1], [0, 0, 1, 1], [], []>, transpose_lhs_hint = false} : vector<1024x256xf32>, vector<256x128xf32>, vector<1024x128xf32> -> vector<1024x128xf32>
    %swap3A = arith.constant 0 : index
    %swap3A_29 = arith.constant 0 : index
    %swap3A_30 = vector.load %arg8[%swap3A, %swap3A_29] : memref<1024x128xf32, #tpu.memory_space<vmem>>, vector<1024x128xf32>
    tpu.vector_store %arg8[%swap3A, %swap3A_29], %dot_general3A_28 {strides = array<i32>} : memref<1024x128xf32, #tpu.memory_space<vmem>>, vector<1024x128xf32>,
    %get3A_31 = arith.constant 0 : index
    %get3A_32 = arith.constant 0 : index
    %get3A_33 = vector.load %arg6[%get3A_31, %get3A_32] : memref<256x128xf32, #tpu.memory_space<vmem>>, vector<256x128xf32>
    %dot_general3A_34 = arith.constant dense<0.000000e+00> : vector<1024x128xf32>
    %dot_general3A_35 = tpu.matmul %tanh3A, %get3A_33, %dot_general3A_34 {dimension_numbers = #tpu.dot_dimension_numbers<[1], [0], [0], [1], [0, 0, 1, 1], [], []>, transpose_lhs_hint = false} : vector<1024x256xf32>, vector<256x128xf32>, vector<1024x128xf32> -> vector<1024x128xf32>
    %get3A_36 = arith.constant 0 : index
    %get3A_37 = arith.constant 0 : index
    %get3A_38 = vector.load %arg7[%get3A_36, %get3A_37] : memref<1x128xf32, #tpu.memory_space<vmem>>, vector<1x128xf32>
    %add3A_39 = vector.broadcast %get3A_38 : vector<1x128xf32> to vector<1024x128xf32>
    %add3A_40 = arith.addf %dot_general3A_35, %add3A_39 : vector<1024x128xf32>
    %swap3A_41 = arith.constant 0 : index
    %swap3A_42 = arith.constant 0 : index
    %swap3A_43 = vector.load %arg9[%swap3A_41, %swap3A_42] : memref<1024x128xf32, #tpu.memory_space<vmem>>, vector<1024x128xf32>
    tpu.vector_store %arg9[%swap3A_41, %swap3A_42], %add3A_40 {strides = array<i32>} : memref<1024x128xf32, #tpu.memory_space<vmem>>, vector<1024x128xf32>,
    return
  }
  func.func @transform_0(%arg0: i32) -> (i32, i32, i32) {
    %c0_i32 = arith.constant 0 : i32
    %c0_i32_0 = arith.constant 0 : i32
    %c0_i32_1 = arith.constant 0 : i32
    return %c0_i32, %arg0, %c0_i32_0 : i32, i32, i32
  }
  func.func @transform_1(%arg0: i32) -> (i32, i32) {
    %c0_i32 = arith.constant 0 : i32
    %c0_i32_0 = arith.constant 0 : i32
    return %c0_i32, %arg0 : i32, i32
  }
  func.func @transform_2(%arg0: i32) -> (i32, i32) {
    %c0_i32 = arith.constant 0 : i32
    %c0_i32_0 = arith.constant 0 : i32
    return %arg0, %c0_i32 : i32, i32
  }
  func.func @transform_3(%arg0: i32) -> (i32, i32) {
    %c0_i32 = arith.constant 0 : i32
    %c0_i32_0 = arith.constant 0 : i32
    %c0_i32_1 = arith.constant 0 : i32
    return %c0_i32, %c0_i32_0 : i32, i32
  }
  func.func @transform_4(%arg0: i32) -> (i32, i32) {
    %c0_i32 = arith.constant 0 : i32
    %c0_i32_0 = arith.constant 0 : i32
    %c0_i32_1 = arith.constant 0 : i32
    return %c0_i32, %c0_i32_0 : i32, i32
  }
  func.func @transform_5(%arg0: i32) -> (i32, i32) {
    %c0_i32 = arith.constant 0 : i32
    %c0_i32_0 = arith.constant 0 : i32
    %c0_i32_1 = arith.constant 0 : i32
    return %c0_i32, %c0_i32_0 : i32, i32
  }
  func.func @transform_6(%arg0: i32) -> (i32, i32) {
    %c0_i32 = arith.constant 0 : i32
    %c0_i32_0 = arith.constant 0 : i32
    %c0_i32_1 = arith.constant 0 : i32
    return %c0_i32, %c0_i32_0 : i32, i32
  }
  func.func @transform_7(%arg0: i32) -> (i32, i32) {
    %c0_i32 = arith.constant 0 : i32
    %c0_i32_0 = arith.constant 0 : i32
    return %arg0, %c0_i32 : i32, i32
  }
  func.func @transform_8(%arg0: i32) -> (i32, i32) {
    %c0_i32 = arith.constant 0 : i32
    %c0_i32_0 = arith.constant 0 : i32
    return %arg0, %c0_i32 : i32, i32
  }
}

module attributes {stable_mosaic.version = 14 : i64} {
  func.func @_layer2_body(%arg0: i32, %arg1: memref<2x1024x128xf32, #tpu.memory_space<vmem>>, %arg2: memref<2x1024xf32, #tpu.memory_space<vmem>>, %arg3: memref<1024x128xf32, #tpu.memory_space<vmem>>, %arg4: memref<1024x128xf32, #tpu.memory_space<vmem>>) attributes {dimension_semantics = [#tpu.dimension_semantics<arbitrary>], iteration_bounds = array<i64: 10>, scalar_prefetch = 0 : i64, scratch_operands = 0 : i64, tpu.core_type = #tpu.core_type<tc>, window_params = [{transform_indices = @transform_0, window_bounds = array<i64: 2, 1024, 128>}, {transform_indices = @transform_1, window_bounds = array<i64: 2, 1024>}, {transform_indices = @transform_2, window_bounds = array<i64: 1024, 128>}, {transform_indices = @transform_3, window_bounds = array<i64: 1024, 128>}]} {
    %get3A = arith.constant 0 : index
    %get3A_0 = arith.constant 0 : index
    %get3A_1 = vector.load %arg2[%get3A, %get3A_0] : memref<2x1024xf32, #tpu.memory_space<vmem>>, vector<2x1024xf32>
    %reduce_sum3A = arith.constant dense<0.000000e+00> : vector<1024xf32>
    %reduce_sum3A_2 = vector.multi_reduction <add>, %get3A_1, %reduce_sum3A [0] : vector<2x1024xf32> to vector<1024xf32>
    %max3A = arith.constant 1.000000e+00 : f32
    %max3A_3 = vector.broadcast %max3A : f32 to vector<1024xf32>
    %max3A_4 = arith.maximumf %reduce_sum3A_2, %max3A_3 : vector<1024xf32>
    %get3A_5 = arith.constant 0 : index
    %get3A_6 = arith.constant 0 : index
    %get3A_7 = arith.constant 0 : index
    %get3A_8 = vector.load %arg1[%get3A_5, %get3A_6, %get3A_7] : memref<2x1024x128xf32, #tpu.memory_space<vmem>>, vector<1x1024x128xf32>
    %get3A_9 = vector.shape_cast %get3A_8 : vector<1x1024x128xf32> to vector<1024x128xf32>
    %get3A_10 = arith.constant 1 : index
    %get3A_11 = arith.constant 0 : index
    %get3A_12 = arith.constant 0 : index
    %get3A_13 = vector.load %arg1[%get3A_10, %get3A_11, %get3A_12] : memref<2x1024x128xf32, #tpu.memory_space<vmem>>, vector<1x1024x128xf32>
    %get3A_14 = vector.shape_cast %get3A_13 : vector<1x1024x128xf32> to vector<1024x128xf32>
    %add3A = arith.addf %get3A_9, %get3A_14 : vector<1024x128xf32>
    %broadcast_in_dim3A = vector.shape_cast %max3A_4 : vector<1024xf32> to vector<1024x1xf32>
    %div3A = vector.broadcast %broadcast_in_dim3A : vector<1024x1xf32> to vector<1024x128xf32>
    %div3A_15 = arith.divf %add3A, %div3A : vector<1024x128xf32>
    %get3A_16 = arith.constant 0 : index
    %get3A_17 = arith.constant 0 : index
    %get3A_18 = vector.load %arg3[%get3A_16, %get3A_17] : memref<1024x128xf32, #tpu.memory_space<vmem>>, vector<1024x128xf32>
    %add3A_19 = arith.addf %div3A_15, %get3A_18 : vector<1024x128xf32>
    %tanh3A = math.tanh %add3A_19 : vector<1024x128xf32>
    %swap3A = arith.constant 0 : index
    %swap3A_20 = arith.constant 0 : index
    %swap3A_21 = vector.load %arg4[%swap3A, %swap3A_20] : memref<1024x128xf32, #tpu.memory_space<vmem>>, vector<1024x128xf32>
    tpu.vector_store %arg4[%swap3A, %swap3A_20], %tanh3A {strides = array<i32>} : memref<1024x128xf32, #tpu.memory_space<vmem>>, vector<1024x128xf32>,
    return
  }
  func.func @transform_0(%arg0: i32) -> (i32, i32, i32) {
    %c0_i32 = arith.constant 0 : i32
    %c0_i32_0 = arith.constant 0 : i32
    %c0_i32_1 = arith.constant 0 : i32
    return %c0_i32, %arg0, %c0_i32_0 : i32, i32, i32
  }
  func.func @transform_1(%arg0: i32) -> (i32, i32) {
    %c0_i32 = arith.constant 0 : i32
    %c0_i32_0 = arith.constant 0 : i32
    return %c0_i32, %arg0 : i32, i32
  }
  func.func @transform_2(%arg0: i32) -> (i32, i32) {
    %c0_i32 = arith.constant 0 : i32
    %c0_i32_0 = arith.constant 0 : i32
    return %arg0, %c0_i32 : i32, i32
  }
  func.func @transform_3(%arg0: i32) -> (i32, i32) {
    %c0_i32 = arith.constant 0 : i32
    %c0_i32_0 = arith.constant 0 : i32
    return %arg0, %c0_i32 : i32, i32
  }
}

</mosaic_0001>

<sc_bundles>
// kernel: kernel.10.cloned.1.call-start
scs
__scs_entry_jumppad:
0x0: {  	(pc) =	sbr.rel $0x88, $3  }
0x1: {  	(tag) =	ssettag $0x0;
	lr =	simm.s32 $0x1  }
0x2: {  	[smem:$0x3F99] =	sst lr;
	_ =	strace $0xD0000000  }
0x3: {  	_ = 	snop  }
0x4: {  	_ = 	snop  }
0x5: {  	_ = 	snop  }
0x6: {  	_ = 	snop  }
0x7: {  	_ = 	snop  }
__scs_overlays_trampoline_lowered:
0x8: {  	[smem:$0x3FA8] =	sst s0  }
0x9: {  	[smem:$0x3FA9] =	sst s1  }
0xa: {  	[smem:$0x3FAA] =	sst s2  }
0xb: {  	[smem:$0x3FAB] =	sst s3  }
0xc: {  	[smem:$0x3FAC] =	sst s4  }
0xd: {  	[smem:$0x3FAD] =	sst s5  }
0xe: {  	[smem:$0x3FAE] =	sst s6  }
0xf: {  	[smem:$0x3FAF] =	sst s7  }
0x10: {  	[smem:$0x3FB0] =	sst s8  }
0x11: {  	[smem:$0x3FB1] =	sst s9;
	s0 =	simm.s32 @!p0 $0x0  }
0x12: {  	s1 =	sld [smem:$0x3F97];
	s0 =	simm.s32 @p0 $0x1  }
0x13: {  	[smem:$0x3FB2] =	sst s0;
	s0 =	simm.s32 @!p1 $0x0  }
0x14: {  	s2 =	sld [smem:$0x3F96];
	s0 =	simm.s32 @p1 $0x1  }
0x15: {  	[smem:$0x3FB3] =	sst s0;
	s0 =	simm.s32 @!p2 $0x0  }
0x16: {  	s3 =	sld [smem:$0x3FDB];
	s0 =	simm.s32 @p2 $0x1  }
0x17: {  	s4 =	simm.s32 $0x1BF5;
	[smem:$0x3FB5] =	sst s0  }
0x18: {  	s0 =	sld [smem:$0x3F98];
	_ =	swait.ge [sflag:s4], $0x0  }
0x19: {  	s7 =	sld [smem:$0x3F99]  }
0x1a: {  	s8 =	sadd.s32 $0xFFFFE003, lr  }
0x1b: {  	s9 =	sadd.s32 $0xFFFFFEF7, lr;
	s5 =	simm.s32 $0xFFFFFFFF;
	p2 =	slt.u32 s8, $0xFFFFF086  }
0x1c: {  	p1 =	slt.u32 s9, $0xF7A;
	s5 =	simm.s32 @!p2 $0x0  }
0x1d: {  	s5 =	simm.s32 @p1 $0x1;
	p0 =	seq.s32 s7, s2  }
0x1e: {  	s7 =	smul.u32 @!p0 $0xF7A, s2;
	p2 =	seq.s32 @!p0 s5, $0x0  }
0x1f: {  	s9 =	smul.u32 $0xF7A, s1;
	s8 =	simm.s32 @!p0 $0x1BF5;
	p2 =	por !p2, p0  }
0x20: {  	[sflag:s8] =	ssyncset.s32 @!p0 $0xFFFFF086;
	s6 =	sadd.s32 @!p0 s3, s7;
	s7 =	simm.s32 @!p0 $0x108  }
0x21: {  	s3 =	sadd.s32 s3, s9;
	s6 =	sadd.s32 @!p0 $0x88, s6;
	s7 =	simm.s32 @p2 $0x1082  }
0x22: {  	[simem:s7], [sflag:s8] =	dma.local @!p0 [hbm:s6], $0xF7A  }
0x23: {  	s9 =	sor.u32 $0xD0000000, s2;
	s6 =	simm.s32 $0x108;
	_ =	swait.ge @!p0 [sflag:s8], $0x0  }
0x24: {  	s3 =	sadd.s32 $0x88, s3;
	s6 =	simm.s32 @!p1 $0x1082;
	[sflag:s4] =	ssyncset.s32 $0xFFFFF086  }
0x25: {  	[simem:s6], [sflag:s4] =	dma.local [hbm:s3], $0xF7A  }
0x26: {  	[smem:$0x3F99] =	sst s1;
	(tag) =	ssettag s2;
	_ =	strace s9  }
0x27: {  	s1 =	sld [smem:$0x3FA9]  }
0x28: {  	s2 =	sld [smem:$0x3FAA]  }
0x29: {  	s4 =	sld [smem:$0x3FAC]  }
0x2a: {  	p0 =	seq.s32 s5, $0x0;
	s5 =	sld [smem:$0x3FAD]  }
0x2b: {  	s6 =	sld [smem:$0x3FAE]  }
0x2c: {  	s7 =	sld [smem:$0x3FAF]  }
0x2d: {  	s3 =	simm.s32 $0x108;
	s8 =	sld [smem:$0x3FB0]  }
0x2e: {  	s3 =	simm.s32 @!p0 $0x1082;
	s9 =	sld [smem:$0x3FB1]  }
0x2f: {  	lr =	sadd.s32 s0, s3;
	s0 =	sld [smem:$0x3FA8]  }
0x30: {  	s3 =	sld [smem:$0x3FAB]  }
0x31: {  	[smem:$0x3FB4] =	sst s10  }
0x32: {  	s10 =	sld [smem:$0x3FB2];
	_ =	sdelay $0x3  }
0x33: {  	p0 =	seq.s32 s10, $0x1;
	s10 =	sld [smem:$0x3FB4];
	_ =	sdelay $0x3  }
0x34: {  	[smem:$0x3FB4] =	sst s10  }
0x35: {  	s10 =	sld [smem:$0x3FB3];
	_ =	sdelay $0x3  }
0x36: {  	p1 =	seq.s32 s10, $0x1;
	s10 =	sld [smem:$0x3FB4];
	_ =	sdelay $0x3  }
0x37: {  	[smem:$0x3FB4] =	sst s10  }
0x38: {  	s10 =	sld [smem:$0x3FB5]  }
0x39: {  	_ = 	snop;
	(pc) =	sbr.ind lr, $3  }
0x3a: {  	_ = 	snop  }
0x3b: {  	_ = 	snop  }
0x3c: {  	p2 =	seq.s32 s10, $0x1;
	s10 =	sld [smem:$0x3FB4]  }
0x3d: {  	_ =	shalt  }
0x3e: {  	_ =	shalt  }
0x3f: {  	_ =	shalt  }
0x40: {  	_ =	shalt  }
0x41: {  	_ =	shalt  }
0x42: {  	_ =	shalt  }
0x43: {  	_ =	shalt  }
0x44: {  	_ =	shalt  }
0x45: {  	_ =	shalt  }
0x46: {  	_ =	shalt  }
0x47: {  	_ =	shalt  }
0x48: {  	_ =	shalt  }
0x49: {  	_ =	shalt  }
0x4a: {  	_ =	shalt  }
0x4b: {  	_ =	shalt  }
0x4c: {  	_ =	shalt  }
0x4d: {  	_ =	shalt  }
0x4e: {  	_ =	shalt  }
0x4f: {  	_ =	shalt  }
0x50: {  	_ =	shalt  }
0x51: {  	_ =	shalt  }
0x52: {  	_ =	shalt  }
0x53: {  	_ =	shalt  }
0x54: {  	_ =	shalt  }
0x55: {  	_ =	shalt  }
0x56: {  	_ =	shalt  }
0x57: {  	_ =	shalt  }
0x58: {  	_ =	shalt  }
0x59: {  	_ =	shalt  }
0x5a: {  	_ =	shalt  }
0x5b: {  	_ =	shalt  }
0x5c: {  	_ =	shalt  }
0x5d: {  	_ =	shalt  }
0x5e: {  	_ =	shalt  }
0x5f: {  	_ =	shalt  }
0x60: {  	_ =	shalt  }
0x61: {  	_ =	shalt  }
0x62: {  	_ =	shalt  }
0x63: {  	_ =	shalt  }
0x64: {  	_ =	shalt  }
0x65: {  	_ =	shalt  }
0x66: {  	_ =	shalt  }
0x67: {  	_ =	shalt  }
0x68: {  	_ =	shalt  }
0x69: {  	_ =	shalt  }
0x6a: {  	_ =	shalt  }
0x6b: {  	_ =	shalt  }
0x6c: {  	_ =	shalt  }
0x6d: {  	_ =	shalt  }
0x6e: {  	_ =	shalt  }
0x6f: {  	_ =	shalt  }
0x70: {  	_ =	shalt  }
0x71: {  	_ =	shalt  }
0x72: {  	_ =	shalt  }
0x73: {  	_ =	shalt  }
0x74: {  	_ =	shalt  }
0x75: {  	_ =	shalt  }
0x76: {  	_ =	shalt  }
0x77: {  	_ =	shalt  }
0x78: {  	_ =	shalt  }
0x79: {  	_ =	shalt  }
0x7a: {  	_ =	shalt  }
0x7b: {  	_ =	shalt  }
0x7c: {  	_ =	shalt  }
0x7d: {  	_ =	shalt  }
0x7e: {  	_ =	shalt  }
0x7f: {  	_ =	shalt  }
0x80: {  	_ =	shalt  }
0x81: {  	_ =	shalt  }
0x82: {  	_ =	shalt  }
0x83: {  	_ =	shalt  }
0x84: {  	_ =	shalt  }
0x85: {  	_ =	shalt  }
0x86: {  	_ =	shalt  }
0x87: {  	_ =	shalt  }
.Lfunc_end0:
.L_simem_size_0:
called_computation.1_lowered:
.L_overlay_start_0:
0x88: {  	s2 =	sld [smem:$0x3FD9]  }
0x89: {  	s3 =	sld [smem:$0x3FFE];
	_ =	sdelay $0x1  }
0x8a: {  	s1 =	srdreg.scid  }
0x8b: {  	s0 =	sand.u32 $0x1, s1  }
0x8c: {  	s17 =	sshll.u32 s0, $0xA;
	s2 =	sadd.s32 s3, s2  }
0x8d: {  	s2 =	sadd.s32 s2, s17  }
0x8e: {  	[smem:$0x3FC0] =	sst s2  }
0x8f: {  	_ = 	snop  }
0x90: {  	s2 =	sld [smem:$0x3FD0];
	(tm) =	ssettm $0x1  }
0x91: {  	s18 =	sld [smem:$0x3FFB];
	_ =	sdelay $0x3  }
0x92: {  	_ =	strace s18  }
0x93: {  	s3 =	sld [smem:$0x3FFC];
	_ =	sdelay $0x3  }
0x94: {  	_ =	strace s3  }
0x95: {  	s3 =	sld [smem:$0x3FFD];
	_ =	sdelay $0x3  }
0x96: {  	_ =	strace s3  }
0x97: {  	_ =	strace $0x8FFFFFFF  }
0x98: {  	s19 =	sld [smem:$0x3FDB];
	_ =	sdelay $0x1  }
0x99: {  	s4 =	simm.s32 $_scs_section_size  }
0x9a: {  	s5 =	simm.s32 $_size__tile_overlayer_lowered;
	s6 =	simm.s32 $_tile_overlayer_lowered  }
0x9b: {  	s22 =	simm.s32 $0x1BFF;
	s21 =	sshll.u32 s6, $0x1;
	s3 =	sadd.s32 s4, s19  }
0x9c: {  	s7 =	simm.s32 $0x0;
	s20 =	sshll.u32 s5, $0x1;
	s5 =	sadd.s32 s21, s3  }
0x9d: {  	[timem:s7], [sflag:s22] =	dma.local [hbm:s5], s20  }
0x9e: {  	_ =	swait.ge [sflag:s22], s20  }
0x9f: {  	s4 =	ssub.s32 $0x0, s20;
	[sflag:s22] =	ssyncset.done $0x0  }
0xa0: {  	[sflag:s22] =	ssyncadd.s32 s4;
	_ =	sdelay $0x1  }
0xa1: {  	s23 =	simm.s32 $0x1B8B  }
0xa2: {  	_ =	swait.ge [sflag:s23], $0x1  }
0xa3: {  	[sflag:s23] =	ssyncset.done $0x0  }
0xa4: {  	s25 =	simm.s32 $0x1B8E;
	s24 =	sld [smem:$0x3FFE];
	[sflag:s23] =	ssyncadd.s32 $0xFFFFFFFF  }
0xa5: {  	s26 =	simm.s32 $execute0_lowered;
	[smem:$0x3FD2] =	sst s25  }
0xa6: {  	s5 =	sshll.u32 s26, $0x1;
	_ =	strace $0x80000049;
	[dreg:$0x1] =	wrdreg $0xFFFFFFFF  }
0xa7: {  	s28 =	simm.s32 $_size_execute0_lowered;
	s3 =	sadd.s32 s3, s5;
	[dreg:$0x0] =	wrdreg $0x0  }
0xa8: {  	s5 =	sshll.u32 s28, $0x1;
	[dreg:$0x2] =	wrdreg s3  }
0xa9: {  	[dreg:$0x3] =	wrdreg s5  }
0xaa: {  	[dreg:$0x4] =	wrdreg $0xC0  }
0xab: {  	_ =	task [dreg:s7], $0x5FFFF  }
0xac: {  	[dreg:$0x1] =	wrdreg $0xFFFFFFFF  }
0xad: {  	[dreg:$0x0] =	wrdreg $0x60  }
0xae: {  	[dreg:$0x2] =	wrdreg s24  }
0xaf: {  	[dreg:$0x3] =	wrdreg s2  }
0xb0: {  	[dreg:$0x4] =	wrdreg $0x0  }
0xb1: {  	[dreg:$0x5] =	wrdreg $0x9  }
0xb2: {  	_ =	task.clear_ibuf [dreg:s7], $0x6FFFF;
	_ =	strace $0x90000049  }
0xb3: {  	s29 =	simm.s32 $0x9;
	_ =	strace $0x8000004B  }
0xb4: {  	_ =	swait.ge [sflag:s29], $0x1  }
0xb5: {  	[sflag:s29] =	ssyncadd.s32 $0xFFFFFFFF  }
0xb6: {  	_ =	strace $0x9000004B  }
0xb7: {  	_ =	sfence  }
0xb8: {  	s30 =	sld [smem:$0x0];
	_ =	sdelay $0x2  }
0xb9: {  	s31 =	sshll.u32 s1, $0xD;
	s1 =	sshrl.u32 s1, $0x2  }
0xba: {  	s3 =	sand.u32 $0x4000, s31;
	s1 =	sadd.s32 s1, s30  }
0xbb: {  	s0 =	sor.u32 s3, s0;
	s1 =	sshll.u32 s1, $0x11  }
0xbc: {  	s0 =	sor.u32 s1, s0  }
0xbd: {  	s0 =	sadd.s32 $0x8F2B, s0  }
0xbe: {  	[sflag:s0] =	ssyncadd.remote.s32 $0x1  }
0xbf: {  	_ =	sfence.sel $0xFFFF  }
0xc0: {  	[dreg:$0x0] =	wrdreg $0xFFFFFFFF;
	(pc) =	sbr.abs _section_cstart, $3  }
0xc1: {  	[dreg:$0x1] =	wrdreg $0xFFFFFFFF  }
0xc2: {  	_ =	task.clear_ibuf [dreg:s7], $0x2FFFF;
	_ =	strace $0x9FFFFFFF  }
0xc3: {  	(tm) =	ssettm $0x7FFFFFFF  }
tec
execute0_lowered:
.L_overlay_start_1:
0x0: {  	(tag) =	ssettag $0x1  }
0x1: {  	s5 =	rddreg [dreg:$0x0]  }
0x2: {  	s9 =	rddreg [dreg:$0x1];
	s0 =	stileid.u32  }
0x3: {  	s1 =	srdreg.scid;
	s2 =	rddreg [dreg:$0x2]  }
0x4: {  	s3 =	simm.s32 $0x0;
	s15 =	simm.s32 $0x80;
	s16 =	simm.s32 $0x14200  }
0x5: {  	s17 =	simm.s32 $0x14100;
	s18 =	simm.s32 $0x18200;
	s19 =	simm.s32 $0x1  }
0x6: {  	s20 =	simm.s32 $0x14080;
	s21 =	simm.s32 $0x2;
	s22 =	simm.s32 $0x14180  }
0x7: {  	s4 =	smul.u32 $0x14000, s0;
	s7 =	sand.u32 $0x1, s1;
	s1 =	rddreg [dreg:$0x3]  }
0x8: {  	s23 =	simm.s32 $0x0;
	[smem:$0x7FF] =	sst s3;
	s12 =	smul.u32 $0x50000, s0  }
0x9: {  	s11 =	sshll.u32 s0, $0x1;
	s30 =	smul.u32 $0x1400, s0;
	s31 =	sshll.u32 s0, $0x6  }
0xa: {  	s6 =	smul.u32 $0x140000, s7;
	_ =	strace $0x8000004A;
	s10 =	ssub.s32 $0x2, s7  }
0xb: {  	s28 =	sor.u32 s7, s11;
	s14 =	smul.u32 $0xA00, s7;
	s7 =	sor.u32 $0x1C03, s31  }
0xc: {  	s8 =	sshrl.u32 s4, $0x3;
	s26 =	sshrl.u32 s10, $0x1;
	s29 =	sshrl.u32 s12, $0x2  }
0xd: {  	s11 =	sadd.s32 s30, s9;
	s6 =	sadd.s32 s4, s6;
	s4 =	sadd.s32 $0x3000, s5  }
0xe: {  	s8 =	sadd.s32 s8, s5;
	s10 =	ssub.s32 s10, s26;
	s6 =	sshrl.u32 s6, $0x3  }
0xf: {  	s12 =	sadd.s32 s29, s2;
	s13 =	sadd.s32 s6, s5;
	s6 =	smul.u32 $0xA00, s28  }
0x10: {  	s11 =	sadd.s32 s14, s11;
	s14 =	simm.s32 $0x14000;
	s10 =	smax.u32 s10, $0x1  }
0x11: {  	s12 =	sshrl.u32 s12, $0x3;
	s5 =	sadd.s32 $0x2B600, s8;
	s6 =	sadd.s32 s9, s6  }
0x12: {  	s9 =	sadd.s32 $0x53600, s13;
	s13 =	simm.s32 $0x3;
	s8 =	sadd.s32 $0x20, s6  }
.LBB2_1:
0x13: {  	[spmem:s12], [sflag:s7] =	dma.local [hbm:s5], $0x2800  }
0x14: {  	_ =	swait.ge [sflag:s13], $0x2800  }
0x15: {  	[sflag:s13] =	ssyncset.done $0x0  }
0x16: {  	[sflag:s13] =	ssyncadd.s32 $0xFFFFD800  }
0x17: {  	[bflag:$0x0] =	sbarrier.arrive $0xFFFF  }
0x18: {  	[tilespmem:s14], [sflag:$0x3] =	stream.linear.gather [hbm4b:s6+s3], $0x100, $0x38;
	[tilespmem:$0x1C200] =	vst v63  }
0x19: {  	_ =	swait.ge [sflag:s13], $0x100  }
0x1a: {  	[sflag:s13] =	ssyncset.done $0x0  }
0x1b: {  	[sflag:s13] =	ssyncadd.s32 $0xFFFFFF00  }
0x1c: {  	[tilespmem:s16], [sflag:$0x1] =	stream.indirect.gather [hbm4b:s4+s15], $0x80, s14, s15, $0xb8;
	[tilespmem:$0x1C200] =	vst v63  }
0x1d: {  	_ = 	snop  }
0x1e: {  	[tilespmem:s17], [sflag:$0x3] =	stream.linear.gather [hbm4b:s8+s3], $0x100, $0x38;
	[tilespmem:$0x1C200] =	vst v63  }
0x1f: {  	_ =	swait.ge [sflag:s13], $0x100  }
0x20: {  	[sflag:s13] =	ssyncset.done $0x0  }
0x21: {  	[sflag:s13] =	ssyncadd.s32 $0xFFFFFF00  }
0x22: {  	[tilespmem:s18], [sflag:$0x2] =	stream.indirect.gather [hbm4b:s4+s15], $0x80, s17, s15, $0xb8;
	[tilespmem:$0x1C200] =	vst v63  }
0x23: {  	_ =	swait.ge [sflag:s19], $0x4000  }
0x24: {  	[sflag:s19] =	ssyncset.done $0x0  }
0x25: {  	[sflag:s19] =	ssyncadd.s32 $0xFFFFC000  }
0x26: {  	[spmem:s2] =	stream.indirect.scatter.add.f32 [tilespmem:s16], [sflag:$0x3], $0x80, s20, s15, $0xb8;
	[tilespmem:$0x1C200] =	vst v63  }
0x27: {  	_ =	swait.ge [sflag:s13], $0x4000  }
0x28: {  	s24 =	sadd.s32 $0xFFFFF640, s11;
	[sflag:s13] =	ssyncset.done $0x0  }
0x29: {  	s25 =	sadd.s32 $0xA00, s24;
	[sflag:s13] =	ssyncadd.s32 $0xFFFFC000  }
0x2a: {  	[tilespmem:s14], [sflag:$0x3] =	stream.linear.gather [hbm4b:s25+s3], $0x100, $0x38;
	[tilespmem:$0x1C200] =	vst v63  }
0x2b: {  	_ =	swait.ge [sflag:s13], $0x100  }
0x2c: {  	[sflag:s13] =	ssyncset.done $0x0  }
0x2d: {  	[sflag:s13] =	ssyncadd.s32 $0xFFFFFF00  }
0x2e: {  	[tilespmem:s16], [sflag:$0x1] =	stream.indirect.gather [hbm4b:s4+s15], $0x80, s14, s15, $0xb8;
	[tilespmem:$0x1C200] =	vst v63  }
0x2f: {  	_ =	swait.ge [sflag:s21], $0x4000  }
0x30: {  	[sflag:s21] =	ssyncset.done $0x0  }
0x31: {  	[sflag:s21] =	ssyncadd.s32 $0xFFFFC000  }
0x32: {  	[spmem:s2] =	stream.indirect.scatter.add.f32 [tilespmem:s18], [sflag:$0x3], $0x80, s22, s15, $0xb8;
	[tilespmem:$0x1C200] =	vst v63  }
0x33: {  	_ =	swait.ge [sflag:s13], $0x4000  }
0x34: {  	[sflag:s13] =	ssyncset.done $0x0  }
0x35: {  	s24 =	sadd.s32 $0xA20, s24;
	[sflag:s13] =	ssyncadd.s32 $0xFFFFC000  }
0x36: {  	[tilespmem:s17], [sflag:$0x3] =	stream.linear.gather [hbm4b:s24+s3], $0x100, $0x38;
	[tilespmem:$0x1C200] =	vst v63  }
0x37: {  	_ =	swait.ge [sflag:s13], $0x100  }
0x38: {  	[sflag:s13] =	ssyncset.done $0x0  }
0x39: {  	s24 =	simm.s32 $0xFFFFF680;
	[sflag:s13] =	ssyncadd.s32 $0xFFFFFF00  }
.LBB2_2:
0x3a: {  	[tilespmem:s18], [sflag:$0x2] =	stream.indirect.gather [hbm4b:s4+s15], $0x80, s17, s15, $0xb8;
	[tilespmem:$0x1C200] =	vst v63  }
0x3b: {  	s25 =	smov.u32 s24  }
0x3c: {  	p0 =	sne.s32 s24, $0xFFFFFFC0;
	s24 =	sadd.s32 $0x40, s24;
	_ =	swait.ge [sflag:s19], $0x4000  }
0x3d: {  	[sflag:s19] =	ssyncset.done $0x0  }
0x3e: {  	[sflag:s19] =	ssyncadd.s32 $0xFFFFC000  }
0x3f: {  	[spmem:s2] =	stream.indirect.scatter.add.f32 [tilespmem:s16], [sflag:$0x3], $0x80, s20, s15, $0xb8;
	[tilespmem:$0x1C200] =	vst v63  }
0x40: {  	_ =	swait.ge [sflag:s13], $0x4000  }
0x41: {  	s25 =	sadd.s32 s25, s11;
	[sflag:s13] =	ssyncset.done $0x0  }
0x42: {  	s26 =	sadd.s32 $0xA00, s25;
	[sflag:s13] =	ssyncadd.s32 $0xFFFFC000  }
0x43: {  	[tilespmem:s14], [sflag:$0x3] =	stream.linear.gather [hbm4b:s26+s3], $0x100, $0x38;
	[tilespmem:$0x1C200] =	vst v63  }
0x44: {  	_ =	swait.ge [sflag:s13], $0x100  }
0x45: {  	[sflag:s13] =	ssyncset.done $0x0  }
0x46: {  	[sflag:s13] =	ssyncadd.s32 $0xFFFFFF00  }
0x47: {  	[tilespmem:s16], [sflag:$0x1] =	stream.indirect.gather [hbm4b:s4+s15], $0x80, s14, s15, $0xb8;
	[tilespmem:$0x1C200] =	vst v63  }
0x48: {  	_ =	swait.ge [sflag:s21], $0x4000  }
0x49: {  	[sflag:s21] =	ssyncset.done $0x0  }
0x4a: {  	[sflag:s21] =	ssyncadd.s32 $0xFFFFC000  }
0x4b: {  	[spmem:s2] =	stream.indirect.scatter.add.f32 [tilespmem:s18], [sflag:$0x3], $0x80, s22, s15, $0xb8;
	[tilespmem:$0x1C200] =	vst v63  }
0x4c: {  	_ =	swait.ge [sflag:s13], $0x4000  }
0x4d: {  	[sflag:s13] =	ssyncset.done $0x0  }
.Ltmp0:
0x4e: {  	s25 =	sadd.s32 $0xA20, s25;
	[sflag:s13] =	ssyncadd.s32 $0xFFFFC000;
	(pc) =	sbr.rel @p0 .LBB2_2-.Ltmp0, $4  }
0x4f: {  	[tilespmem:s17], [sflag:$0x3] =	stream.linear.gather [hbm4b:s25+s3], $0x100, $0x38;
	[tilespmem:$0x1C200] =	vst v63  }
0x50: {  	_ =	swait.ge [sflag:s13], $0x100  }
0x51: {  	[sflag:s13] =	ssyncset.done $0x0  }
0x52: {  	[sflag:s13] =	ssyncadd.s32 $0xFFFFFF00  }
0x53: {  	[tilespmem:s18], [sflag:$0x2] =	stream.indirect.gather [hbm4b:s4+s15], $0x80, s17, s15, $0xb8;
	[tilespmem:$0x1C200] =	vst v63  }
0x54: {  	_ =	swait.ge [sflag:s19], $0x4000  }
0x55: {  	[sflag:s19] =	ssyncset.done $0x0  }
0x56: {  	[sflag:s19] =	ssyncadd.s32 $0xFFFFC000  }
0x57: {  	[spmem:s2] =	stream.indirect.scatter.add.f32 [tilespmem:s16], [sflag:$0x3], $0x80, s20, s15, $0xb8;
	[tilespmem:$0x1C200] =	vst v63  }
0x58: {  	_ =	swait.ge [sflag:s13], $0x4000  }
0x59: {  	[sflag:s13] =	ssyncset.done $0x0  }
0x5a: {  	[sflag:s13] =	ssyncadd.s32 $0xFFFFC000  }
0x5b: {  	_ =	swait.ge [sflag:s21], $0x4000  }
0x5c: {  	[sflag:s21] =	ssyncset.done $0x0  }
0x5d: {  	[sflag:s21] =	ssyncadd.s32 $0xFFFFC000  }
0x5e: {  	[spmem:s2] =	stream.indirect.scatter.add.f32 [tilespmem:s18], [sflag:$0x3], $0x80, s22, s15, $0xb8;
	[tilespmem:$0x1C200] =	vst v63  }
0x5f: {  	_ =	swait.ge [sflag:s13], $0x4000  }
0x60: {  	s23 =	sadd.s32 $0x1, s23;
	[sflag:s13] =	ssyncset.done $0x0  }
0x61: {  	p0 =	sne.s32 s23, s10;
	[sflag:s13] =	ssyncadd.s32 $0xFFFFC000  }
.Ltmp1:
0x62: {  	[bflag:$0x0] =	sbarrier.arrive $0xFFFF;
	(pc) =	sbr.rel @p0 .LBB2_1-.Ltmp1, $4  }
0x63: {  	[hbm:s9], [sflag:s7] =	dma.local [spmem:s12], $0x2800  }
0x64: {  	_ =	swait.ge [sflag:s13], $0x2800  }
0x65: {  	[sflag:s13] =	ssyncset.done $0x0  }
0x66: {  	[sflag:s13] =	ssyncadd.s32 $0xFFFFD800  }
0x67: {  	_ =	sfence.sel $0x180000  }
0x68: {  	[bflag:$0x0] =	sbarrier.arrive $0xFFFF  }
0x69: {  	p0 =	sne.s32 s0, $0x0;
	_ =	strace $0x9000004A  }
0x6a: {  	s0 =	sadd.s32 @!p0 $0x100000, s1;
	[bflag:$0x2] =	sbarrier.arrive $0xFFFF  }
0x6b: {  	[sflag:s0] =	ssyncadd.tile.s32 @!p0 $0x1;
	_ =	shalt  }
.Lfunc_end2:
_tile_overlayer_lowered:
.L_overlay_start_2:
0x6c: {  	(tag) =	ssettag $0x2  }
0x6d: {  	s0 =	rddreg [dreg:$0x0];
	s2 =	stileid.u32  }
0x6e: {  	s1 =	rddreg [dreg:$0x1];
	p0 =	sne.s32 s2, $0x0  }
0x6f: {  	s3 =	rddreg [dreg:$0x2];
	[bflag:$0x3] =	sbarrier.arrive $0xFFFF;
	s2 =	simm.s32 @!p0 $0x1C03  }
0x70: {  	[timem:s3], [sflag:s2] =	dma.local @!p0 [hbm:s0], s1  }
0x71: {  	s0 =	simm.s32 @!p0 $0x3  }
0x72: {  	_ =	swait.ge @!p0 [sflag:s0], s1  }
0x73: {  	s1 =	ssub.s32 @!p0 $0x0, s1;
	[sflag:s0] =	ssyncset.done @!p0 $0x0  }
0x74: {  	[sflag:s0] =	ssyncadd.s32 @!p0 s1  }
0x75: {  	[bflag:$0x3] =	sbarrier.arrive $0xFFFF  }
0x76: {  	_ =	shalt  }

// kernel: kernel.7.cloned.1.call-start
scs
__scs_entry_jumppad:
0x0: {  	(pc) =	sbr.rel $0x88, $3  }
0x1: {  	(tag) =	ssettag $0x0;
	lr =	simm.s32 $0x1  }
0x2: {  	[smem:$0x3F99] =	sst lr;
	_ =	strace $0xD0000000  }
0x3: {  	_ = 	snop  }
0x4: {  	_ = 	snop  }
0x5: {  	_ = 	snop  }
0x6: {  	_ = 	snop  }
0x7: {  	_ = 	snop  }
__scs_overlays_trampoline_lowered:
0x8: {  	[smem:$0x3FA8] =	sst s0  }
0x9: {  	[smem:$0x3FA9] =	sst s1  }
0xa: {  	[smem:$0x3FAA] =	sst s2  }
0xb: {  	[smem:$0x3FAB] =	sst s3  }
0xc: {  	[smem:$0x3FAC] =	sst s4  }
0xd: {  	[smem:$0x3FAD] =	sst s5  }
0xe: {  	[smem:$0x3FAE] =	sst s6  }
0xf: {  	[smem:$0x3FAF] =	sst s7  }
0x10: {  	[smem:$0x3FB0] =	sst s8  }
0x11: {  	[smem:$0x3FB1] =	sst s9;
	s0 =	simm.s32 @!p0 $0x0  }
0x12: {  	s1 =	sld [smem:$0x3F97];
	s0 =	simm.s32 @p0 $0x1  }
0x13: {  	[smem:$0x3FB2] =	sst s0;
	s0 =	simm.s32 @!p1 $0x0  }
0x14: {  	s2 =	sld [smem:$0x3F96];
	s0 =	simm.s32 @p1 $0x1  }
0x15: {  	[smem:$0x3FB3] =	sst s0;
	s0 =	simm.s32 @!p2 $0x0  }
0x16: {  	s3 =	sld [smem:$0x3FDB];
	s0 =	simm.s32 @p2 $0x1  }
0x17: {  	s4 =	simm.s32 $0x1BF5;
	[smem:$0x3FB5] =	sst s0  }
0x18: {  	s0 =	sld [smem:$0x3F98];
	_ =	swait.ge [sflag:s4], $0x0  }
0x19: {  	s7 =	sld [smem:$0x3F99]  }
0x1a: {  	s8 =	sadd.s32 $0xFFFFE003, lr  }
0x1b: {  	s9 =	sadd.s32 $0xFFFFFEF7, lr;
	s5 =	simm.s32 $0xFFFFFFFF;
	p2 =	slt.u32 s8, $0xFFFFF086  }
0x1c: {  	p1 =	slt.u32 s9, $0xF7A;
	s5 =	simm.s32 @!p2 $0x0  }
0x1d: {  	s5 =	simm.s32 @p1 $0x1;
	p0 =	seq.s32 s7, s2  }
0x1e: {  	s7 =	smul.u32 @!p0 $0xF7A, s2;
	p2 =	seq.s32 @!p0 s5, $0x0  }
0x1f: {  	s9 =	smul.u32 $0xF7A, s1;
	s8 =	simm.s32 @!p0 $0x1BF5;
	p2 =	por !p2, p0  }
0x20: {  	[sflag:s8] =	ssyncset.s32 @!p0 $0xFFFFF086;
	s6 =	sadd.s32 @!p0 s3, s7;
	s7 =	simm.s32 @!p0 $0x108  }
0x21: {  	s3 =	sadd.s32 s3, s9;
	s6 =	sadd.s32 @!p0 $0x88, s6;
	s7 =	simm.s32 @p2 $0x1082  }
0x22: {  	[simem:s7], [sflag:s8] =	dma.local @!p0 [hbm:s6], $0xF7A  }
0x23: {  	s9 =	sor.u32 $0xD0000000, s2;
	s6 =	simm.s32 $0x108;
	_ =	swait.ge @!p0 [sflag:s8], $0x0  }
0x24: {  	s3 =	sadd.s32 $0x88, s3;
	s6 =	simm.s32 @!p1 $0x1082;
	[sflag:s4] =	ssyncset.s32 $0xFFFFF086  }
0x25: {  	[simem:s6], [sflag:s4] =	dma.local [hbm:s3], $0xF7A  }
0x26: {  	[smem:$0x3F99] =	sst s1;
	(tag) =	ssettag s2;
	_ =	strace s9  }
0x27: {  	s1 =	sld [smem:$0x3FA9]  }
0x28: {  	s2 =	sld [smem:$0x3FAA]  }
0x29: {  	s4 =	sld [smem:$0x3FAC]  }
0x2a: {  	p0 =	seq.s32 s5, $0x0;
	s5 =	sld [smem:$0x3FAD]  }
0x2b: {  	s6 =	sld [smem:$0x3FAE]  }
0x2c: {  	s7 =	sld [smem:$0x3FAF]  }
0x2d: {  	s3 =	simm.s32 $0x108;
	s8 =	sld [smem:$0x3FB0]  }
0x2e: {  	s3 =	simm.s32 @!p0 $0x1082;
	s9 =	sld [smem:$0x3FB1]  }
0x2f: {  	lr =	sadd.s32 s0, s3;
	s0 =	sld [smem:$0x3FA8]  }
0x30: {  	s3 =	sld [smem:$0x3FAB]  }
0x31: {  	[smem:$0x3FB4] =	sst s10  }
0x32: {  	s10 =	sld [smem:$0x3FB2];
	_ =	sdelay $0x3  }
0x33: {  	p0 =	seq.s32 s10, $0x1;
	s10 =	sld [smem:$0x3FB4];
	_ =	sdelay $0x3  }
0x34: {  	[smem:$0x3FB4] =	sst s10  }
0x35: {  	s10 =	sld [smem:$0x3FB3];
	_ =	sdelay $0x3  }
0x36: {  	p1 =	seq.s32 s10, $0x1;
	s10 =	sld [smem:$0x3FB4];
	_ =	sdelay $0x3  }
0x37: {  	[smem:$0x3FB4] =	sst s10  }
0x38: {  	s10 =	sld [smem:$0x3FB5]  }
0x39: {  	_ = 	snop;
	(pc) =	sbr.ind lr, $3  }
0x3a: {  	_ = 	snop  }
0x3b: {  	_ = 	snop  }
0x3c: {  	p2 =	seq.s32 s10, $0x1;
	s10 =	sld [smem:$0x3FB4]  }
0x3d: {  	_ =	shalt  }
0x3e: {  	_ =	shalt  }
0x3f: {  	_ =	shalt  }
0x40: {  	_ =	shalt  }
0x41: {  	_ =	shalt  }
0x42: {  	_ =	shalt  }
0x43: {  	_ =	shalt  }
0x44: {  	_ =	shalt  }
0x45: {  	_ =	shalt  }
0x46: {  	_ =	shalt  }
0x47: {  	_ =	shalt  }
0x48: {  	_ =	shalt  }
0x49: {  	_ =	shalt  }
0x4a: {  	_ =	shalt  }
0x4b: {  	_ =	shalt  }
0x4c: {  	_ =	shalt  }
0x4d: {  	_ =	shalt  }
0x4e: {  	_ =	shalt  }
0x4f: {  	_ =	shalt  }
0x50: {  	_ =	shalt  }
0x51: {  	_ =	shalt  }
0x52: {  	_ =	shalt  }
0x53: {  	_ =	shalt  }
0x54: {  	_ =	shalt  }
0x55: {  	_ =	shalt  }
0x56: {  	_ =	shalt  }
0x57: {  	_ =	shalt  }
0x58: {  	_ =	shalt  }
0x59: {  	_ =	shalt  }
0x5a: {  	_ =	shalt  }
0x5b: {  	_ =	shalt  }
0x5c: {  	_ =	shalt  }
0x5d: {  	_ =	shalt  }
0x5e: {  	_ =	shalt  }
0x5f: {  	_ =	shalt  }
0x60: {  	_ =	shalt  }
0x61: {  	_ =	shalt  }
0x62: {  	_ =	shalt  }
0x63: {  	_ =	shalt  }
0x64: {  	_ =	shalt  }
0x65: {  	_ =	shalt  }
0x66: {  	_ =	shalt  }
0x67: {  	_ =	shalt  }
0x68: {  	_ =	shalt  }
0x69: {  	_ =	shalt  }
0x6a: {  	_ =	shalt  }
0x6b: {  	_ =	shalt  }
0x6c: {  	_ =	shalt  }
0x6d: {  	_ =	shalt  }
0x6e: {  	_ =	shalt  }
0x6f: {  	_ =	shalt  }
0x70: {  	_ =	shalt  }
0x71: {  	_ =	shalt  }
0x72: {  	_ =	shalt  }
0x73: {  	_ =	shalt  }
0x74: {  	_ =	shalt  }
0x75: {  	_ =	shalt  }
0x76: {  	_ =	shalt  }
0x77: {  	_ =	shalt  }
0x78: {  	_ =	shalt  }
0x79: {  	_ =	shalt  }
0x7a: {  	_ =	shalt  }
0x7b: {  	_ =	shalt  }
0x7c: {  	_ =	shalt  }
0x7d: {  	_ =	shalt  }
0x7e: {  	_ =	shalt  }
0x7f: {  	_ =	shalt  }
0x80: {  	_ =	shalt  }
0x81: {  	_ =	shalt  }
0x82: {  	_ =	shalt  }
0x83: {  	_ =	shalt  }
0x84: {  	_ =	shalt  }
0x85: {  	_ =	shalt  }
0x86: {  	_ =	shalt  }
0x87: {  	_ =	shalt  }
.Lfunc_end0:
.L_simem_size_0:
called_computation_lowered:
.L_overlay_start_0:
0x88: {  	s2 =	sld [smem:$0x3FD9]  }
0x89: {  	s3 =	sld [smem:$0x3FFE];
	_ =	sdelay $0x1  }
0x8a: {  	s1 =	srdreg.scid  }
0x8b: {  	s0 =	sand.u32 $0x1, s1  }
0x8c: {  	s17 =	sshll.u32 s0, $0xA;
	s2 =	sadd.s32 s3, s2  }
0x8d: {  	s2 =	sadd.s32 s2, s17  }
0x8e: {  	[smem:$0x3FC0] =	sst s2  }
0x8f: {  	_ = 	snop  }
0x90: {  	s2 =	sld [smem:$0x3FD0];
	(tm) =	ssettm $0x1  }
0x91: {  	s18 =	sld [smem:$0x3FFB];
	_ =	sdelay $0x3  }
0x92: {  	_ =	strace s18  }
0x93: {  	s3 =	sld [smem:$0x3FFC];
	_ =	sdelay $0x3  }
0x94: {  	_ =	strace s3  }
0x95: {  	s3 =	sld [smem:$0x3FFD];
	_ =	sdelay $0x3  }
0x96: {  	_ =	strace s3  }
0x97: {  	_ =	strace $0x8FFFFFFF  }
0x98: {  	s19 =	sld [smem:$0x3FDB];
	_ =	sdelay $0x1  }
0x99: {  	s4 =	simm.s32 $_scs_section_size  }
0x9a: {  	s5 =	simm.s32 $_size__tile_overlayer_lowered;
	s6 =	simm.s32 $_tile_overlayer_lowered  }
0x9b: {  	s22 =	simm.s32 $0x1BFF;
	s21 =	sshll.u32 s6, $0x1;
	s3 =	sadd.s32 s4, s19  }
0x9c: {  	s7 =	simm.s32 $0x0;
	s20 =	sshll.u32 s5, $0x1;
	s5 =	sadd.s32 s21, s3  }
0x9d: {  	[timem:s7], [sflag:s22] =	dma.local [hbm:s5], s20  }
0x9e: {  	_ =	swait.ge [sflag:s22], s20  }
0x9f: {  	s4 =	ssub.s32 $0x0, s20;
	[sflag:s22] =	ssyncset.done $0x0  }
0xa0: {  	[sflag:s22] =	ssyncadd.s32 s4;
	_ =	sdelay $0x1  }
0xa1: {  	s23 =	simm.s32 $0x1B8B  }
0xa2: {  	_ =	swait.ge [sflag:s23], $0x1  }
0xa3: {  	[sflag:s23] =	ssyncset.done $0x0  }
0xa4: {  	s25 =	simm.s32 $0x1B8E;
	s24 =	sld [smem:$0x3FFE];
	[sflag:s23] =	ssyncadd.s32 $0xFFFFFFFF  }
0xa5: {  	s26 =	simm.s32 $execute0_lowered;
	[smem:$0x3FD2] =	sst s25  }
0xa6: {  	s5 =	sshll.u32 s26, $0x1;
	_ =	strace $0x80000046;
	[dreg:$0x1] =	wrdreg $0xFFFFFFFF  }
0xa7: {  	s28 =	simm.s32 $_size_execute0_lowered;
	s3 =	sadd.s32 s3, s5;
	[dreg:$0x0] =	wrdreg $0x0  }
0xa8: {  	s5 =	sshll.u32 s28, $0x1;
	[dreg:$0x2] =	wrdreg s3  }
0xa9: {  	[dreg:$0x3] =	wrdreg s5  }
0xaa: {  	[dreg:$0x4] =	wrdreg $0xC0  }
0xab: {  	_ =	task [dreg:s7], $0x5FFFF  }
0xac: {  	[dreg:$0x1] =	wrdreg $0xFFFFFFFF  }
0xad: {  	[dreg:$0x0] =	wrdreg $0x60  }
0xae: {  	[dreg:$0x2] =	wrdreg s24  }
0xaf: {  	[dreg:$0x3] =	wrdreg s2  }
0xb0: {  	[dreg:$0x4] =	wrdreg $0x0  }
0xb1: {  	[dreg:$0x5] =	wrdreg $0x1C2000  }
0xb2: {  	[dreg:$0x6] =	wrdreg $0x9  }
0xb3: {  	_ =	task.clear_ibuf [dreg:s7], $0x7FFFF;
	_ =	strace $0x90000046  }
0xb4: {  	s29 =	simm.s32 $0x9;
	_ =	strace $0x80000048  }
0xb5: {  	_ =	swait.ge [sflag:s29], $0x1  }
0xb6: {  	[sflag:s29] =	ssyncadd.s32 $0xFFFFFFFF  }
0xb7: {  	_ =	strace $0x90000048  }
0xb8: {  	_ =	sfence  }
0xb9: {  	s30 =	sld [smem:$0x0];
	_ =	sdelay $0x2  }
0xba: {  	s31 =	sshll.u32 s1, $0xD;
	s1 =	sshrl.u32 s1, $0x2  }
0xbb: {  	s3 =	sand.u32 $0x4000, s31;
	s1 =	sadd.s32 s1, s30  }
0xbc: {  	s0 =	sor.u32 s3, s0;
	s1 =	sshll.u32 s1, $0x11  }
0xbd: {  	s0 =	sor.u32 s1, s0  }
0xbe: {  	s0 =	sadd.s32 $0x8F2B, s0  }
0xbf: {  	[sflag:s0] =	ssyncadd.remote.s32 $0x1  }
0xc0: {  	_ =	sfence.sel $0xFFFF  }
0xc1: {  	[dreg:$0x0] =	wrdreg $0xFFFFFFFF;
	(pc) =	sbr.abs _section_cstart, $3  }
0xc2: {  	[dreg:$0x1] =	wrdreg $0xFFFFFFFF  }
0xc3: {  	_ =	task.clear_ibuf [dreg:s7], $0x2FFFF;
	_ =	strace $0x9FFFFFFF  }
0xc4: {  	(tm) =	ssettm $0x7FFFFFFF  }
0xc5: {  	_ =	shalt  }
tec
execute0_lowered:
.L_overlay_start_1:
0x0: {  	(tag) =	ssettag $0x1  }
0x1: {  	s0 =	rddreg [dreg:$0x0]  }
0x2: {  	s1 =	rddreg [dreg:$0x1]  }
0x3: {  	s2 =	rddreg [dreg:$0x2];
	s18 =	stileid.u32  }
0x4: {  	s3 =	rddreg [dreg:$0x3];
	s4 =	simm.s32 $0x0;
	s6 =	smul.u32 $0x14000, s18  }
0x5: {  	s5 =	srdreg.scid;
	s28 =	simm.s32 $0x14180;
	s9 =	smul.u32 $0x280, s18  }
0x6: {  	s29 =	simm.s32 $0x2;
	[smem:$0x7FF] =	sst s4;
	s16 =	smul.u32 $0x500, s18  }
0x7: {  	s12 =	sand.u32 $0x1, s5;
	s5 =	sadd.s32 $0x3000, s0;
	s20 =	smul.u32 $0x50000, s18  }
0x8: {  	s14 =	sshll.u32 s18, $0x1;
	s24 =	sshll.u32 s18, $0x6;
	s26 =	smul.u32 $0x1400, s18  }
0x9: {  	s18 =	simm.s32 $0x14000;
	_ =	strace $0x80000047;
	s7 =	smul.u32 $0x140000, s12  }
0xa: {  	s11 =	sshll.u32 s12, $0x7;
	s19 =	ssub.s32 $0x2, s12;
	s22 =	sor.u32 s12, s14  }
0xb: {  	s30 =	smul.u32 $0xA00, s12;
	s8 =	sshrl.u32 s6, $0x3;
	s10 =	sshrl.u32 s9, $0x3  }
0xc: {  	s17 =	sor.u32 s11, s16;
	s21 =	sshrl.u32 s19, $0x1;
	s23 =	sshrl.u32 s20, $0x2  }
0xd: {  	s25 =	smul.u32 $0xA00, s22;
	s31 =	sadd.s32 s26, s1;
	s20 =	simm.s32 $0x14200  }
0xe: {  	s22 =	simm.s32 $0x18200;
	s26 =	simm.s32 $0x3;
	s8 =	sadd.s32 s8, s0  }
0xf: {  	s6 =	sadd.s32 s6, s7;
	s10 =	sadd.s32 s10, s0;
	s15 =	ssub.s32 s19, s21  }
0x10: {  	s16 =	sadd.s32 s23, s2;
	s7 =	sor.u32 $0x1C04, s24;
	s14 =	sadd.s32 s30, s31  }
0x11: {  	s19 =	simm.s32 $0x80;
	s21 =	simm.s32 $0x14100;
	s6 =	sshrl.u32 s6, $0x3  }
0x12: {  	s23 =	simm.s32 $0x14080;
	s24 =	simm.s32 $0x1C480;
	s13 =	sadd.s32 s6, s0  }
0x13: {  	s6 =	sshrl.u32 s17, $0x3;
	s17 =	sadd.s32 s9, s3;
	s9 =	sadd.s32 s1, s25  }
0x14: {  	s25 =	simm.s32 $0x1;
	s0 =	sadd.s32 s6, s0;
	s6 =	sadd.s32 $0x2B600, s8  }
0x15: {  	s8 =	sadd.s32 $0x2B000, s10;
	s10 =	sadd.s32 $0x20, s9;
	s11 =	sadd.s32 $0x53600, s13  }
0x16: {  	s13 =	smax.u32 s15, $0x1;
	s15 =	sshrl.u32 s16, $0x3;
	s16 =	simm.s32 $0x4  }
0x17: {  	v0 =	vimm.f32 $1.000000000e+00;
	s17 =	sshrl.u32 s17, $0x3;
	s12 =	sadd.s32 $0xA3600, s0;
	s0 =	simm.s32 $0x0  }
.LBB2_1:
0x18: {  	[spmem:s15], [sflag:s7] =	dma.local [hbm:s6], $0x2800  }
0x19: {  	_ =	swait.ge [sflag:s16], $0x2800  }
0x1a: {  	[sflag:s16] =	ssyncset.done $0x0  }
0x1b: {  	[sflag:s16] =	ssyncadd.s32 $0xFFFFD800  }
0x1c: {  	[spmem:s17], [sflag:s7] =	dma.local [hbm:s8], $0x50  }
0x1d: {  	_ =	swait.ge [sflag:s16], $0x50  }
0x1e: {  	[sflag:s16] =	ssyncset.done $0x0  }
0x1f: {  	[sflag:s16] =	ssyncadd.s32 $0xFFFFFFB0  }
0x20: {  	[tilespmem:$0x1C480] =	vst v0  }
0x21: {  	[tilespmem:$0x1C490] =	vst v0  }
0x22: {  	[tilespmem:$0x1C4A0] =	vst v0  }
0x23: {  	[tilespmem:$0x1C4B0] =	vst v0  }
0x24: {  	[tilespmem:$0x1C4C0] =	vst v0  }
0x25: {  	[tilespmem:$0x1C4D0] =	vst v0  }
0x26: {  	[tilespmem:$0x1C4E0] =	vst v0  }
0x27: {  	[tilespmem:$0x1C4F0] =	vst v0  }
0x28: {  	[bflag:$0x0] =	sbarrier.arrive $0xFFFF  }
0x29: {  	[tilespmem:s18], [sflag:$0x4] =	stream.linear.gather [hbm4b:s9+s4], $0x100, $0x38;
	[tilespmem:$0x1C500] =	vst v63  }
0x2a: {  	_ =	swait.ge [sflag:s16], $0x100  }
0x2b: {  	[sflag:s16] =	ssyncset.done $0x0  }
0x2c: {  	[sflag:s16] =	ssyncadd.s32 $0xFFFFFF00  }
0x2d: {  	[tilespmem:s20], [sflag:$0x1] =	stream.indirect.gather [hbm4b:s5+s19], $0x80, s18, s19, $0xb8;
	[tilespmem:$0x1C500] =	vst v63  }
0x2e: {  	_ = 	snop  }
0x2f: {  	[tilespmem:s21], [sflag:$0x4] =	stream.linear.gather [hbm4b:s10+s4], $0x100, $0x38;
	[tilespmem:$0x1C500] =	vst v63  }
0x30: {  	_ =	swait.ge [sflag:s16], $0x100  }
0x31: {  	[sflag:s16] =	ssyncset.done $0x0  }
0x32: {  	[sflag:s16] =	ssyncadd.s32 $0xFFFFFF00  }
0x33: {  	[tilespmem:s22], [sflag:$0x2] =	stream.indirect.gather [hbm4b:s5+s19], $0x80, s21, s19, $0xb8;
	[tilespmem:$0x1C500] =	vst v63  }
0x34: {  	_ = 	snop  }
0x35: {  	[spmem:s3] =	stream.indirect.scatter.add.f32 [tilespmem:s24], [sflag:$0x3], $0x1, s23, s19, $0xb8;
	[tilespmem:$0x1C500] =	vst v63  }
0x36: {  	_ =	swait.ge [sflag:s25], $0x4000  }
0x37: {  	[sflag:s25] =	ssyncset.done $0x0  }
0x38: {  	[sflag:s25] =	ssyncadd.s32 $0xFFFFC000  }
0x39: {  	[spmem:s2] =	stream.indirect.scatter.add.f32 [tilespmem:s20], [sflag:$0x4], $0x80, s23, s19, $0xb8;
	[tilespmem:$0x1C500] =	vst v63  }
0x3a: {  	_ =	swait.ge [sflag:s16], $0x4000  }
0x3b: {  	[sflag:s16] =	ssyncset.done $0x0  }
0x3c: {  	[sflag:s16] =	ssyncadd.s32 $0xFFFFC000  }
0x3d: {  	_ =	swait.ge [sflag:s26], $0x80  }
0x3e: {  	s1 =	sadd.s32 $0xFFFFF640, s14;
	[sflag:s26] =	ssyncset.done $0x0  }
0x3f: {  	s30 =	sadd.s32 $0xA00, s1;
	[sflag:s26] =	ssyncadd.s32 $0xFFFFFF80  }
0x40: {  	[tilespmem:s18], [sflag:$0x4] =	stream.linear.gather [hbm4b:s30+s4], $0x100, $0x38;
	[tilespmem:$0x1C500] =	vst v63  }
0x41: {  	_ =	swait.ge [sflag:s16], $0x100  }
0x42: {  	[sflag:s16] =	ssyncset.done $0x0  }
0x43: {  	[sflag:s16] =	ssyncadd.s32 $0xFFFFFF00  }
0x44: {  	[tilespmem:s20], [sflag:$0x1] =	stream.indirect.gather [hbm4b:s5+s19], $0x80, s18, s19, $0xb8;
	[tilespmem:$0x1C500] =	vst v63  }
0x45: {  	_ = 	snop  }
0x46: {  	[spmem:s3] =	stream.indirect.scatter.add.f32 [tilespmem:s24], [sflag:$0x3], $0x1, s28, s19, $0xb8;
	[tilespmem:$0x1C500] =	vst v63  }
0x47: {  	_ =	swait.ge [sflag:s29], $0x4000  }
0x48: {  	[sflag:s29] =	ssyncset.done $0x0  }
0x49: {  	[sflag:s29] =	ssyncadd.s32 $0xFFFFC000  }
0x4a: {  	[spmem:s2] =	stream.indirect.scatter.add.f32 [tilespmem:s22], [sflag:$0x4], $0x80, s28, s19, $0xb8;
	[tilespmem:$0x1C500] =	vst v63  }
0x4b: {  	_ =	swait.ge [sflag:s16], $0x4000  }
0x4c: {  	[sflag:s16] =	ssyncset.done $0x0  }
0x4d: {  	[sflag:s16] =	ssyncadd.s32 $0xFFFFC000  }
0x4e: {  	_ =	swait.ge [sflag:s26], $0x80  }
0x4f: {  	[sflag:s26] =	ssyncset.done $0x0  }
0x50: {  	s1 =	sadd.s32 $0xA20, s1;
	[sflag:s26] =	ssyncadd.s32 $0xFFFFFF80  }
0x51: {  	[tilespmem:s21], [sflag:$0x4] =	stream.linear.gather [hbm4b:s1+s4], $0x100, $0x38;
	[tilespmem:$0x1C500] =	vst v63  }
0x52: {  	_ =	swait.ge [sflag:s16], $0x100  }
0x53: {  	[sflag:s16] =	ssyncset.done $0x0  }
0x54: {  	s1 =	simm.s32 $0xFFFFF680;
	[sflag:s16] =	ssyncadd.s32 $0xFFFFFF00  }
.LBB2_2:
0x55: {  	[tilespmem:s22], [sflag:$0x2] =	stream.indirect.gather [hbm4b:s5+s19], $0x80, s21, s19, $0xb8;
	[tilespmem:$0x1C500] =	vst v63  }
0x56: {  	p0 =	sne.s32 s1, $0xFFFFFFC0;
	s30 =	smov.u32 s1;
	s1 =	sadd.s32 $0x40, s1  }
0x57: {  	[spmem:s3] =	stream.indirect.scatter.add.f32 [tilespmem:s24], [sflag:$0x3], $0x1, s23, s19, $0xb8;
	[tilespmem:$0x1C500] =	vst v63  }
0x58: {  	_ =	swait.ge [sflag:s25], $0x4000  }
0x59: {  	[sflag:s25] =	ssyncset.done $0x0  }
0x5a: {  	[sflag:s25] =	ssyncadd.s32 $0xFFFFC000  }
0x5b: {  	[spmem:s2] =	stream.indirect.scatter.add.f32 [tilespmem:s20], [sflag:$0x4], $0x80, s23, s19, $0xb8;
	[tilespmem:$0x1C500] =	vst v63  }
0x5c: {  	_ =	swait.ge [sflag:s16], $0x4000  }
0x5d: {  	[sflag:s16] =	ssyncset.done $0x0  }
0x5e: {  	[sflag:s16] =	ssyncadd.s32 $0xFFFFC000  }
0x5f: {  	_ =	swait.ge [sflag:s26], $0x80  }
0x60: {  	s30 =	sadd.s32 s30, s14;
	[sflag:s26] =	ssyncset.done $0x0  }
0x61: {  	s31 =	sadd.s32 $0xA00, s30;
	[sflag:s26] =	ssyncadd.s32 $0xFFFFFF80  }
0x62: {  	[tilespmem:s18], [sflag:$0x4] =	stream.linear.gather [hbm4b:s31+s4], $0x100, $0x38;
	[tilespmem:$0x1C500] =	vst v63  }
0x63: {  	_ =	swait.ge [sflag:s16], $0x100  }
0x64: {  	[sflag:s16] =	ssyncset.done $0x0  }
0x65: {  	[sflag:s16] =	ssyncadd.s32 $0xFFFFFF00  }
0x66: {  	[tilespmem:s20], [sflag:$0x1] =	stream.indirect.gather [hbm4b:s5+s19], $0x80, s18, s19, $0xb8;
	[tilespmem:$0x1C500] =	vst v63  }
0x67: {  	_ = 	snop  }
0x68: {  	[spmem:s3] =	stream.indirect.scatter.add.f32 [tilespmem:s24], [sflag:$0x3], $0x1, s28, s19, $0xb8;
	[tilespmem:$0x1C500] =	vst v63  }
0x69: {  	_ =	swait.ge [sflag:s29], $0x4000  }
0x6a: {  	[sflag:s29] =	ssyncset.done $0x0  }
0x6b: {  	[sflag:s29] =	ssyncadd.s32 $0xFFFFC000  }
0x6c: {  	[spmem:s2] =	stream.indirect.scatter.add.f32 [tilespmem:s22], [sflag:$0x4], $0x80, s28, s19, $0xb8;
	[tilespmem:$0x1C500] =	vst v63  }
0x6d: {  	_ =	swait.ge [sflag:s16], $0x4000  }
0x6e: {  	[sflag:s16] =	ssyncset.done $0x0  }
0x6f: {  	[sflag:s16] =	ssyncadd.s32 $0xFFFFC000  }
0x70: {  	_ =	swait.ge [sflag:s26], $0x80  }
0x71: {  	[sflag:s26] =	ssyncset.done $0x0  }
.Ltmp0:
0x72: {  	s30 =	sadd.s32 $0xA20, s30;
	[sflag:s26] =	ssyncadd.s32 $0xFFFFFF80;
	(pc) =	sbr.rel @p0 .LBB2_2-.Ltmp0, $4  }
0x73: {  	[tilespmem:s21], [sflag:$0x4] =	stream.linear.gather [hbm4b:s30+s4], $0x100, $0x38;
	[tilespmem:$0x1C500] =	vst v63  }
0x74: {  	_ =	swait.ge [sflag:s16], $0x100  }
0x75: {  	[sflag:s16] =	ssyncset.done $0x0  }
0x76: {  	[sflag:s16] =	ssyncadd.s32 $0xFFFFFF00  }
0x77: {  	[tilespmem:s22], [sflag:$0x2] =	stream.indirect.gather [hbm4b:s5+s19], $0x80, s21, s19, $0xb8;
	[tilespmem:$0x1C500] =	vst v63  }
0x78: {  	_ = 	snop  }
0x79: {  	[spmem:s3] =	stream.indirect.scatter.add.f32 [tilespmem:s24], [sflag:$0x3], $0x1, s23, s19, $0xb8;
	[tilespmem:$0x1C500] =	vst v63  }
0x7a: {  	_ =	swait.ge [sflag:s25], $0x4000  }
0x7b: {  	[sflag:s25] =	ssyncset.done $0x0  }
0x7c: {  	[sflag:s25] =	ssyncadd.s32 $0xFFFFC000  }
0x7d: {  	[spmem:s2] =	stream.indirect.scatter.add.f32 [tilespmem:s20], [sflag:$0x4], $0x80, s23, s19, $0xb8;
	[tilespmem:$0x1C500] =	vst v63  }
0x7e: {  	_ =	swait.ge [sflag:s16], $0x4000  }
0x7f: {  	[sflag:s16] =	ssyncset.done $0x0  }
0x80: {  	[sflag:s16] =	ssyncadd.s32 $0xFFFFC000  }
0x81: {  	_ =	swait.ge [sflag:s26], $0x80  }
0x82: {  	[sflag:s26] =	ssyncset.done $0x0  }
0x83: {  	[sflag:s26] =	ssyncadd.s32 $0xFFFFFF80  }
0x84: {  	[spmem:s3] =	stream.indirect.scatter.add.f32 [tilespmem:s24], [sflag:$0x3], $0x1, s28, s19, $0xb8;
	[tilespmem:$0x1C500] =	vst v63  }
0x85: {  	_ =	swait.ge [sflag:s29], $0x4000  }
0x86: {  	[sflag:s29] =	ssyncset.done $0x0  }
0x87: {  	[sflag:s29] =	ssyncadd.s32 $0xFFFFC000  }
0x88: {  	[spmem:s2] =	stream.indirect.scatter.add.f32 [tilespmem:s22], [sflag:$0x4], $0x80, s28, s19, $0xb8;
	[tilespmem:$0x1C500] =	vst v63  }
0x89: {  	_ =	swait.ge [sflag:s16], $0x4000  }
0x8a: {  	[sflag:s16] =	ssyncset.done $0x0  }
0x8b: {  	[sflag:s16] =	ssyncadd.s32 $0xFFFFC000  }
0x8c: {  	_ =	swait.ge [sflag:s26], $0x80  }
0x8d: {  	[sflag:s26] =	ssyncset.done $0x0  }
0x8e: {  	[sflag:s26] =	ssyncadd.s32 $0xFFFFFF80  }
0x8f: {  	[bflag:$0x0] =	sbarrier.arrive $0xFFFF  }
0x90: {  	[hbm:s11], [sflag:s7] =	dma.local [spmem:s15], $0x2800  }
0x91: {  	s0 =	sadd.s32 $0x1, s0;
	_ =	swait.ge [sflag:s16], $0x2800  }
0x92: {  	s1 =	simm.s32 $0x20;
	p0 =	sne.s32 s0, s13;
	[sflag:s16] =	ssyncset.done $0x0  }
.Ltmp1:
0x93: {  	s30 =	simm.s32 $0x10;
	[sflag:s16] =	ssyncadd.s32 $0xFFFFD800;
	(pc) =	sbr.rel @p0 .LBB2_1-.Ltmp1, $4  }
0x94: {  	[hbm:s12@s1], [sflag:s7] =	dma.strided [spmem:s17@s30], $0x50, s25, $0x10   }
0x95: {  	_ =	swait.ge [sflag:s16], $0x50  }
0x96: {  	[sflag:s16] =	ssyncset.done $0x0  }
0x97: {  	[sflag:s16] =	ssyncadd.s32 $0xFFFFFFB0  }
0x98: {  	_ =	sfence.sel $0x180000  }
0x99: {  	[bflag:$0x0] =	sbarrier.arrive $0xFFFF  }
0x9a: {  	_ =	strace $0x90000047  }
0x9b: {  	s0 =	stileid.u32;
	[bflag:$0x2] =	sbarrier.arrive $0xFFFF  }
0x9c: {  	p0 =	sne.s32 s0, $0x0;
	s0 =	rddreg [dreg:$0x4]  }
0x9d: {  	s0 =	sadd.s32 @!p0 $0x100000, s0  }
0x9e: {  	[sflag:s0] =	ssyncadd.tile.s32 @!p0 $0x1;
	_ =	shalt  }
.Lfunc_end2:
_tile_overlayer_lowered:
.L_overlay_start_2:
0x9f: {  	(tag) =	ssettag $0x2  }
0xa0: {  	s0 =	rddreg [dreg:$0x0];
	s2 =	stileid.u32  }
0xa1: {  	s1 =	rddreg [dreg:$0x1];
	p0 =	sne.s32 s2, $0x0  }
0xa2: {  	s3 =	rddreg [dreg:$0x2];
	[bflag:$0x3] =	sbarrier.arrive $0xFFFF;
	s2 =	simm.s32 @!p0 $0x1C04  }
0xa3: {  	[timem:s3], [sflag:s2] =	dma.local @!p0 [hbm:s0], s1  }
0xa4: {  	s0 =	simm.s32 @!p0 $0x4  }
0xa5: {  	_ =	swait.ge @!p0 [sflag:s0], s1  }
0xa6: {  	s1 =	ssub.s32 @!p0 $0x0, s1;
	[sflag:s0] =	ssyncset.done @!p0 $0x0  }
0xa7: {  	[sflag:s0] =	ssyncadd.s32 @!p0 s1  }
0xa8: {  	[bflag:$0x3] =	sbarrier.arrive $0xFFFF  }
0xa9: {  	_ =	shalt  }

</sc_bundles>
